<compile_context>
chip_gen: v7x
topology: tpu7x:2x2x1
jax: 0.10.2.dev20260603
libtpu: 0.0.44.dev20260713+nightly
codegen_flags: <defaults>
</compile_context>

<pallas_src>
import functools

import jax
import jax.numpy as jnp
from jax import lax
from jax.experimental import pallas as pl
from jax.experimental.pallas import tpu as pltpu
from jax.experimental.pallas import tpu_sc as plsc

_EMBED = 64
_BATCH = 16384
_REG_LAMBDA = 0.0001

_NC = 2
_NS = 16
_NW = _NC * _NS
_BPW = _BATCH // _NW
_GROUPS = _BPW // 16


@functools.partial(
    pl.kernel,
    mesh=plsc.VectorSubcoreMesh(core_axis_name="c", subcore_axis_name="s"),
    compiler_params=pltpu.CompilerParams(needs_layout_passes=False),
    out_type=(
        jax.ShapeDtypeStruct((128, 128), jnp.float32),
        jax.ShapeDtypeStruct((_NW, 16), jnp.float32),
    ),
    scratch_types=[
        pltpu.VMEM((4, 128), jnp.int32),
        pltpu.VMEM((4, 128), jnp.int32),
        pltpu.VMEM((4, 128), jnp.int32),
        pltpu.VMEM((_BPW // 2, 128), jnp.float32),
        pltpu.VMEM((_BPW // 2, 128), jnp.float32),
        pltpu.VMEM((_BPW // 2, 128), jnp.float32),
        pltpu.VMEM((4, 128), jnp.float32),
        pltpu.VMEM((16,), jnp.float32),
        pltpu.SemaphoreType.DMA,
    ],
)
def _sc_scores(user_hbm, pos_hbm, neg_hbm, utab_hbm, itab_hbm,
               s_out, reg_out,
               idx_u, idx_p, idx_n, rows_u, rows_p, rows_n,
               s_loc, ssq_loc, sem):
    wid = lax.axis_index("s") * _NC + lax.axis_index("c")
    r0 = wid * 4
    pltpu.sync_copy(user_hbm.at[pl.ds(r0, 4)], idx_u)
    pltpu.sync_copy(pos_hbm.at[pl.ds(r0, 4)], idx_p)
    pltpu.sync_copy(neg_hbm.at[pl.ds(r0, 4)], idx_n)

    def fetch(t, _):
        a, b = t >> 3, (t & 7) * 16
        vu = idx_u[a, pl.ds(b, 16)]
        vp = idx_p[a, pl.ds(b, 16)]
        vn = idx_n[a, pl.ds(b, 16)]
        for lane in range(16):
            c = t * 8 + (lane // 2)
            dst = pl.ds((lane & 1) * _EMBED, _EMBED)
            pltpu.make_async_copy(utab_hbm.at[vu[lane]], rows_u.at[c, dst], sem).start()
            pltpu.make_async_copy(itab_hbm.at[vp[lane]], rows_p.at[c, dst], sem).start()
            pltpu.make_async_copy(itab_hbm.at[vn[lane]], rows_n.at[c, dst], sem).start()
        return 0

    lax.fori_loop(0, _BPW // 16, fetch, 0)
    for buf in (rows_u, rows_p, rows_n):
        pltpu.make_async_copy(s_out, buf.at[pl.ds(0, 128)], sem).wait()
        pltpu.make_async_copy(s_out, buf.at[pl.ds(128, 128)], sem).wait()

    zero = jnp.zeros((16,), jnp.float32)

    def group(g, sq_carry):
        sq0, sq1 = sq_carry
        base = (lax.iota(jnp.int32, 16) + g * 16) * _EMBED

        def dstep(dv, carry):
            acc0, acc1, q0, q1 = carry
            d0 = dv * 4
            for j in range(4):
                flat = base + (d0 + j)
                i0 = lax.shift_right_logical(flat, 7)
                i1 = lax.bitwise_and(flat, 127)
                cu = plsc.load_gather(rows_u, [i0, i1])
                cp = plsc.load_gather(rows_p, [i0, i1])
                cn = plsc.load_gather(rows_n, [i0, i1])
                prod = cu * (cp - cn)
                sq = cu * cu + (cp * cp + cn * cn)
                if j % 2 == 0:
                    acc0 = acc0 + prod
                    q0 = q0 + sq
                else:
                    acc1 = acc1 + prod
                    q1 = q1 + sq
            return acc0, acc1, q0, q1

        acc0, acc1, sq0, sq1 = lax.fori_loop(
            0, _EMBED // 4, dstep, (zero, zero, sq0, sq1))
        s_loc[g >> 3, pl.ds((g & 7) * 16, 16)] = acc0 + acc1
        return sq0, sq1

    sq0, sq1 = lax.fori_loop(0, _GROUPS, group, (zero, zero))
    ssq_loc[...] = sq0 + sq1
    pltpu.sync_copy(s_loc, s_out.at[pl.ds(wid * 4, 4)])
    pltpu.sync_copy(ssq_loc, reg_out.at[wid])


def _tc_finish(s_ref, regs_ref, bpr_ref, reg_ref):
    s = s_ref[...]
    sp = jnp.maximum(-s, 0.0) + jnp.log1p(jnp.exp(-jnp.abs(s)))
    bpr_ref[0, 0] = jnp.sum(sp) * (1.0 / _BATCH)
    reg_ref[0, 0] = jnp.sum(regs_ref[...]) * (_REG_LAMBDA / (2.0 * _BATCH))


_tc_fin = pl.pallas_call(
    _tc_finish,
    out_shape=(
        jax.ShapeDtypeStruct((1, 1), jnp.float32),
        jax.ShapeDtypeStruct((1, 1), jnp.float32),
    ),
    in_specs=[
        pl.BlockSpec(memory_space=pltpu.VMEM),
        pl.BlockSpec(memory_space=pltpu.VMEM),
    ],
    out_specs=(
        pl.BlockSpec(memory_space=pltpu.SMEM),
        pl.BlockSpec(memory_space=pltpu.SMEM),
    ),
)


def kernel(user, positive, negative, user_table, item_table):
    u2 = user.reshape(_BATCH // 128, 128)
    p2 = positive.reshape(_BATCH // 128, 128)
    n2 = negative.reshape(_BATCH // 128, 128)
    s, regs = _sc_scores(u2, p2, n2, user_table, item_table)
    bpr, reg = _tc_fin(s, regs.reshape(4, 128))
    return (bpr[0, 0], reg[0, 0])

# --- scband reference (transcript-rebuilt; emitter-appended) ---
"""Pipeline reference for scband-mfbpr-8461085573270 (READ-ONLY COPY).

The authoritative reference and input builder live on the scoring server;
editing this copy changes nothing except your own understanding.
"""

import jax, jax.numpy as jnp
import numpy as np

NUM_USERS = 1000000
NUM_ITEMS = 1000000
EMBED_DIM = 64
BATCH = 16384
REG_LAMBDA = 0.0001


def setup_inputs(seed: int = 0) -> dict:
    key = jax.random.key(seed)
    k1, k2, k3, k4, k5 = jax.random.split(key, 5)
    user = jax.random.randint(k1, (BATCH,), 0, NUM_USERS, dtype=jnp.int64 if jax.config.jax_enable_x64 else jnp.int32).astype(jnp.int32)
    positive = jax.random.randint(k2, (BATCH,), 0, NUM_ITEMS).astype(jnp.int32)
    negative = jax.random.randint(k3, (BATCH,), 0, NUM_ITEMS).astype(jnp.int32)
    # xavier_uniform init (gain=1): bound = sqrt(6 / (fan_in + fan_out))
    ub = float(np.sqrt(6.0 / (NUM_USERS + EMBED_DIM)))
    ib = float(np.sqrt(6.0 / (NUM_ITEMS + EMBED_DIM)))
    user_table = jax.random.uniform(k4, (NUM_USERS, EMBED_DIM), minval=-ub, maxval=ub, dtype=jnp.float32)
    item_table = jax.random.uniform(k5, (NUM_ITEMS, EMBED_DIM), minval=-ib, maxval=ib, dtype=jnp.float32)
    return {"user": user, "positive": positive, "negative": negative,
            "user_table": user_table, "item_table": item_table}


def reference(user, positive, negative, user_table, item_table):
    # embedding lookups (SparseCore gather)
    user_embedding = jnp.take(user_table, user, axis=0)
    pos_embedding = jnp.take(item_table, positive, axis=0)
    neg_embedding = jnp.take(item_table, negative, axis=0)
    # BPR loss: -mean(log sigmoid(pos_score - neg_score))
    pos_score = jnp.sum(user_embedding * pos_embedding, axis=-1)
    neg_score = jnp.sum(user_embedding * neg_embedding, axis=-1)
    bpr_loss = -jnp.mean(jax.nn.log_sigmoid(pos_score - neg_score))
    # L2 regularization over the looked-up embeddings, averaged per example
    reg_loss = (jnp.sum(user_embedding ** 2) + jnp.sum(pos_embedding ** 2)
                + jnp.sum(neg_embedding ** 2)) / (2.0 * user_embedding.shape[0])
    reg_loss = REG_LAMBDA * reg_loss
    return (bpr_loss, reg_loss)

if __name__ == "__main__":
    import jax
    _d = setup_inputs()
    print(jax.jit(kernel)(*tuple(_d.values())))

</pallas_src>

<mosaic_0001>
#map = affine_map<(d0, d1) -> (0, 0)>
module attributes {stable_mosaic.version = 14 : i64} {
  func.func @_sc_scores(%arg0: i32, %arg1: i32, %arg2: memref<128x128xi32, #tpu.memory_space<hbm>>, %arg3: memref<128x128xi32, #tpu.memory_space<hbm>>, %arg4: memref<128x128xi32, #tpu.memory_space<hbm>>, %arg5: memref<1000000x64xf32, #tpu.memory_space<hbm>>, %arg6: memref<1000000x64xf32, #tpu.memory_space<hbm>>, %arg7: memref<128x128xf32, #tpu.memory_space<hbm>>, %arg8: memref<32x16xf32, #tpu.memory_space<hbm>>, %arg9: memref<4x128xi32, #tpu.memory_space<vmem>>, %arg10: memref<4x128xi32, #tpu.memory_space<vmem>>, %arg11: memref<4x128xi32, #tpu.memory_space<vmem>>, %arg12: memref<256x128xf32, #tpu.memory_space<vmem>>, %arg13: memref<256x128xf32, #tpu.memory_space<vmem>>, %arg14: memref<256x128xf32, #tpu.memory_space<vmem>>, %arg15: memref<4x128xf32, #tpu.memory_space<vmem>>, %arg16: memref<16xf32, #tpu.memory_space<vmem>>, %arg17: memref<!tpu.dma_semaphore, #tpu.memory_space<semaphore_mem>>) attributes {dimension_semantics = [#tpu.dimension_semantics<core_parallel>, #tpu.dimension_semantics<subcore_parallel>], iteration_bounds = array<i64: 2, 16>, scalar_prefetch = 0 : i64, scratch_operands = 9 : i64, tpu.core_type = #tpu.core_type<sc_vector_subcore>, window_params = [{transform_indices = #map}, {transform_indices = #map}, {transform_indices = #map}, {transform_indices = #map}, {transform_indices = #map}, {transform_indices = #map}, {transform_indices = #map}]} {
    %mul3A = arith.constant 2 : i32
    %mul3A_0 = arith.muli %arg1, %mul3A : i32
    %add3A = arith.addi %mul3A_0, %arg0 : i32
    %mul3A_1 = arith.constant 4 : i32
    %mul3A_2 = arith.muli %add3A, %mul3A_1 : i32
    "tpu.region"() ({
      %run_scoped3A = tpu.sem_alloc : memref<!tpu.dma_semaphore, #tpu.memory_space<semaphore_mem>>
      %dma_start3A = arith.constant 0 : i32
      %dma_start3A_55 = tpu.memref_slice %arg2[%mul3A_2, %dma_start3A] : memref<128x128xi32, #tpu.memory_space<hbm>> -> memref<4x128xi32, #tpu.memory_space<hbm>>
      %dma_start3A_56 = arith.constant 0 : i32
      %dma_start3A_57 = tpu.memref_slice %arg2[%mul3A_2, %dma_start3A_56] : memref<128x128xi32, #tpu.memory_space<hbm>> -> memref<4x128xi32, #tpu.memory_space<hbm>>
      tpu.enqueue_dma source(%dma_start3A_57 : memref<4x128xi32, #tpu.memory_space<hbm>>) target(%arg9 : memref<4x128xi32, #tpu.memory_space<vmem>>) target_semaphore(%run_scoped3A : memref<!tpu.dma_semaphore, #tpu.memory_space<semaphore_mem>>)
      %dma_wait3A_58 = arith.constant 0 : i32
      %dma_wait3A_59 = tpu.memref_slice %arg2[%mul3A_2, %dma_wait3A_58] : memref<128x128xi32, #tpu.memory_space<hbm>> -> memref<4x128xi32, #tpu.memory_space<hbm>>
      %dma_wait3A_60 = arith.constant 0 : i32
      %dma_wait3A_61 = tpu.memref_slice %arg2[%mul3A_2, %dma_wait3A_60] : memref<128x128xi32, #tpu.memory_space<hbm>> -> memref<4x128xi32, #tpu.memory_space<hbm>>
      tpu.wait_dma2 semaphore(%run_scoped3A : memref<!tpu.dma_semaphore, #tpu.memory_space<semaphore_mem>>) src(%dma_wait3A_61 : memref<4x128xi32, #tpu.memory_space<hbm>>) dst(%arg9 : memref<4x128xi32, #tpu.memory_space<vmem>>)
      tpu.yield
    }) : () -> ()
    "tpu.region"() ({
      %run_scoped3A = tpu.sem_alloc : memref<!tpu.dma_semaphore, #tpu.memory_space<semaphore_mem>>
      %dma_start3A = arith.constant 0 : i32
      %dma_start3A_55 = tpu.memref_slice %arg3[%mul3A_2, %dma_start3A] : memref<128x128xi32, #tpu.memory_space<hbm>> -> memref<4x128xi32, #tpu.memory_space<hbm>>
      %dma_start3A_56 = arith.constant 0 : i32
      %dma_start3A_57 = tpu.memref_slice %arg3[%mul3A_2, %dma_start3A_56] : memref<128x128xi32, #tpu.memory_space<hbm>> -> memref<4x128xi32, #tpu.memory_space<hbm>>
      tpu.enqueue_dma source(%dma_start3A_57 : memref<4x128xi32, #tpu.memory_space<hbm>>) target(%arg10 : memref<4x128xi32, #tpu.memory_space<vmem>>) target_semaphore(%run_scoped3A : memref<!tpu.dma_semaphore, #tpu.memory_space<semaphore_mem>>)
      %dma_wait3A_58 = arith.constant 0 : i32
      %dma_wait3A_59 = tpu.memref_slice %arg3[%mul3A_2, %dma_wait3A_58] : memref<128x128xi32, #tpu.memory_space<hbm>> -> memref<4x128xi32, #tpu.memory_space<hbm>>
      %dma_wait3A_60 = arith.constant 0 : i32
      %dma_wait3A_61 = tpu.memref_slice %arg3[%mul3A_2, %dma_wait3A_60] : memref<128x128xi32, #tpu.memory_space<hbm>> -> memref<4x128xi32, #tpu.memory_space<hbm>>
      tpu.wait_dma2 semaphore(%run_scoped3A : memref<!tpu.dma_semaphore, #tpu.memory_space<semaphore_mem>>) src(%dma_wait3A_61 : memref<4x128xi32, #tpu.memory_space<hbm>>) dst(%arg10 : memref<4x128xi32, #tpu.memory_space<vmem>>)
      tpu.yield
    }) : () -> ()
    "tpu.region"() ({
      %run_scoped3A = tpu.sem_alloc : memref<!tpu.dma_semaphore, #tpu.memory_space<semaphore_mem>>
      %dma_start3A = arith.constant 0 : i32
      %dma_start3A_55 = tpu.memref_slice %arg4[%mul3A_2, %dma_start3A] : memref<128x128xi32, #tpu.memory_space<hbm>> -> memref<4x128xi32, #tpu.memory_space<hbm>>
      %dma_start3A_56 = arith.constant 0 : i32
      %dma_start3A_57 = tpu.memref_slice %arg4[%mul3A_2, %dma_start3A_56] : memref<128x128xi32, #tpu.memory_space<hbm>> -> memref<4x128xi32, #tpu.memory_space<hbm>>
      tpu.enqueue_dma source(%dma_start3A_57 : memref<4x128xi32, #tpu.memory_space<hbm>>) target(%arg11 : memref<4x128xi32, #tpu.memory_space<vmem>>) target_semaphore(%run_scoped3A : memref<!tpu.dma_semaphore, #tpu.memory_space<semaphore_mem>>)
      %dma_wait3A_58 = arith.constant 0 : i32
      %dma_wait3A_59 = tpu.memref_slice %arg4[%mul3A_2, %dma_wait3A_58] : memref<128x128xi32, #tpu.memory_space<hbm>> -> memref<4x128xi32, #tpu.memory_space<hbm>>
      %dma_wait3A_60 = arith.constant 0 : i32
      %dma_wait3A_61 = tpu.memref_slice %arg4[%mul3A_2, %dma_wait3A_60] : memref<128x128xi32, #tpu.memory_space<hbm>> -> memref<4x128xi32, #tpu.memory_space<hbm>>
      tpu.wait_dma2 semaphore(%run_scoped3A : memref<!tpu.dma_semaphore, #tpu.memory_space<semaphore_mem>>) src(%dma_wait3A_61 : memref<4x128xi32, #tpu.memory_space<hbm>>) dst(%arg11 : memref<4x128xi32, #tpu.memory_space<vmem>>)
      tpu.yield
    }) : () -> ()
    %scan3A = arith.constant 0 : i32
    %scan3A_3 = arith.constant 0 : i32
    %scan3A_4 = arith.constant 32 : i32
    %scan3A_5 = arith.addi %scan3A_3, %scan3A_4 : i32
    %scan3A_6 = arith.constant 1 : i32
    %scan3A_7 = scf.for %scan3A_55 = %scan3A_3 to %scan3A_5 step %scan3A_6 iter_args(%scan3A_56 = %scan3A) -> (i32)  : i32 {
      %shift_right_arithmetic3A = arith.constant 3 : i32
      %shift_right_arithmetic3A_57 = arith.shrsi %scan3A_55, %shift_right_arithmetic3A : i32
      %and3A = arith.constant 7 : i32
      %and3A_58 = arith.andi %scan3A_55, %and3A : i32
      %mul3A_59 = arith.constant 16 : i32
      %mul3A_60 = arith.muli %and3A_58, %mul3A_59 : i32
      %get3A = arith.index_cast %shift_right_arithmetic3A_57 : i32 to index
      %get3A_61 = arith.index_cast %mul3A_60 : i32 to index
      %get3A_62 = tpu.vector_load %arg9[%get3A, %get3A_61] {strides = array<i32>} : memref<4x128xi32, #tpu.memory_space<vmem>>, vector<16xi32>,
      %get3A_63 = arith.index_cast %shift_right_arithmetic3A_57 : i32 to index
      %get3A_64 = arith.index_cast %mul3A_60 : i32 to index
      %get3A_65 = tpu.vector_load %arg10[%get3A_63, %get3A_64] {strides = array<i32>} : memref<4x128xi32, #tpu.memory_space<vmem>>, vector<16xi32>,
      %get3A_66 = arith.index_cast %shift_right_arithmetic3A_57 : i32 to index
      %get3A_67 = arith.index_cast %mul3A_60 : i32 to index
      %get3A_68 = tpu.vector_load %arg11[%get3A_66, %get3A_67] {strides = array<i32>} : memref<4x128xi32, #tpu.memory_space<vmem>>, vector<16xi32>,
      %mul3A_69 = arith.constant 8 : i32
      %mul3A_70 = arith.muli %scan3A_55, %mul3A_69 : i32
      %add3A_71 = arith.constant 0 : i32
      %add3A_72 = arith.addi %mul3A_70, %add3A_71 : i32
      %slice3A = vector.extract_strided_slice %get3A_62 {offsets = [0], sizes = [1], strides = [1]} : vector<16xi32> to vector<1xi32>
      %squeeze3A = vector.extract %slice3A[0] : i32 from vector<1xi32>
      %dma_start3A = arith.constant 0 : i32
      %dma_start3A_73 = tpu.memref_slice %arg12[%add3A_72, %dma_start3A] : memref<256x128xf32, #tpu.memory_space<vmem>> -> memref<1x64xf32, #tpu.memory_space<vmem>>
      %dma_start3A_74 = tpu.memref_squeeze %dma_start3A_73 : memref<1x64xf32, #tpu.memory_space<vmem>> -> memref<64xf32, #tpu.memory_space<vmem>>
      %dma_start3A_75 = arith.constant 0 : i32
      %dma_start3A_76 = tpu.memref_slice %arg5[%squeeze3A, %dma_start3A_75] : memref<1000000x64xf32, #tpu.memory_space<hbm>> -> memref<1x64xf32, #tpu.memory_space<hbm>>
      %dma_start3A_77 = tpu.memref_squeeze %dma_start3A_76 : memref<1x64xf32, #tpu.memory_space<hbm>> -> memref<64xf32, #tpu.memory_space<hbm>>
      %dma_start3A_78 = arith.constant 0 : i32
      %dma_start3A_79 = tpu.memref_slice %arg12[%add3A_72, %dma_start3A_78] : memref<256x128xf32, #tpu.memory_space<vmem>> -> memref<1x64xf32, #tpu.memory_space<vmem>>
      %dma_start3A_80 = tpu.memref_squeeze %dma_start3A_79 : memref<1x64xf32, #tpu.memory_space<vmem>> -> memref<64xf32, #tpu.memory_space<vmem>>
      %dma_start3A_81 = arith.constant 0 : i32
      %dma_start3A_82 = tpu.memref_slice %arg5[%squeeze3A, %dma_start3A_81] : memref<1000000x64xf32, #tpu.memory_space<hbm>> -> memref<1x64xf32, #tpu.memory_space<hbm>>
      %dma_start3A_83 = tpu.memref_squeeze %dma_start3A_82 : memref<1x64xf32, #tpu.memory_space<hbm>> -> memref<64xf32, #tpu.memory_space<hbm>>
      tpu.enqueue_dma source(%dma_start3A_83 : memref<64xf32, #tpu.memory_space<hbm>>) target(%dma_start3A_80 : memref<64xf32, #tpu.memory_space<vmem>>) target_semaphore(%arg17 : memref<!tpu.dma_semaphore, #tpu.memory_space<semaphore_mem>>)
      %slice3A_84 = vector.extract_strided_slice %get3A_65 {offsets = [0], sizes = [1], strides = [1]} : vector<16xi32> to vector<1xi32>
      %squeeze3A_85 = vector.extract %slice3A_84[0] : i32 from vector<1xi32>
      %dma_start3A_86 = arith.constant 0 : i32
      %dma_start3A_87 = tpu.memref_slice %arg13[%add3A_72, %dma_start3A_86] : memref<256x128xf32, #tpu.memory_space<vmem>> -> memref<1x64xf32, #tpu.memory_space<vmem>>
      %dma_start3A_88 = tpu.memref_squeeze %dma_start3A_87 : memref<1x64xf32, #tpu.memory_space<vmem>> -> memref<64xf32, #tpu.memory_space<vmem>>
      %dma_start3A_89 = arith.constant 0 : i32
      %dma_start3A_90 = tpu.memref_slice %arg6[%squeeze3A_85, %dma_start3A_89] : memref<1000000x64xf32, #tpu.memory_space<hbm>> -> memref<1x64xf32, #tpu.memory_space<hbm>>
      %dma_start3A_91 = tpu.memref_squeeze %dma_start3A_90 : memref<1x64xf32, #tpu.memory_space<hbm>> -> memref<64xf32, #tpu.memory_space<hbm>>
      %dma_start3A_92 = arith.constant 0 : i32
      %dma_start3A_93 = tpu.memref_slice %arg13[%add3A_72, %dma_start3A_92] : memref<256x128xf32, #tpu.memory_space<vmem>> -> memref<1x64xf32, #tpu.memory_space<vmem>>
      %dma_start3A_94 = tpu.memref_squeeze %dma_start3A_93 : memref<1x64xf32, #tpu.memory_space<vmem>> -> memref<64xf32, #tpu.memory_space<vmem>>
      %dma_start3A_95 = arith.constant 0 : i32
      %dma_start3A_96 = tpu.memref_slice %arg6[%squeeze3A_85, %dma_start3A_95] : memref<1000000x64xf32, #tpu.memory_space<hbm>> -> memref<1x64xf32, #tpu.memory_space<hbm>>
      %dma_start3A_97 = tpu.memref_squeeze %dma_start3A_96 : memref<1x64xf32, #tpu.memory_space<hbm>> -> memref<64xf32, #tpu.memory_space<hbm>>
      tpu.enqueue_dma source(%dma_start3A_97 : memref<64xf32, #tpu.memory_space<hbm>>) target(%dma_start3A_94 : memref<64xf32, #tpu.memory_space<vmem>>) target_semaphore(%arg17 : memref<!tpu.dma_semaphore, #tpu.memory_space<semaphore_mem>>)
      %slice3A_98 = vector.extract_strided_slice %get3A_68 {offsets = [0], sizes = [1], strides = [1]} : vector<16xi32> to vector<1xi32>
      %squeeze3A_99 = vector.extract %slice3A_98[0] : i32 from vector<1xi32>
      %dma_start3A_100 = arith.constant 0 : i32
      %dma_start3A_101 = tpu.memref_slice %arg14[%add3A_72, %dma_start3A_100] : memref<256x128xf32, #tpu.memory_space<vmem>> -> memref<1x64xf32, #tpu.memory_space<vmem>>
      %dma_start3A_102 = tpu.memref_squeeze %dma_start3A_101 : memref<1x64xf32, #tpu.memory_space<vmem>> -> memref<64xf32, #tpu.memory_space<vmem>>
      %dma_start3A_103 = arith.constant 0 : i32
      %dma_start3A_104 = tpu.memref_slice %arg6[%squeeze3A_99, %dma_start3A_103] : memref<1000000x64xf32, #tpu.memory_space<hbm>> -> memref<1x64xf32, #tpu.memory_space<hbm>>
      %dma_start3A_105 = tpu.memref_squeeze %dma_start3A_104 : memref<1x64xf32, #tpu.memory_space<hbm>> -> memref<64xf32, #tpu.memory_space<hbm>>
      %dma_start3A_106 = arith.constant 0 : i32
      %dma_start3A_107 = tpu.memref_slice %arg14[%add3A_72, %dma_start3A_106] : memref<256x128xf32, #tpu.memory_space<vmem>> -> memref<1x64xf32, #tpu.memory_space<vmem>>
      %dma_start3A_108 = tpu.memref_squeeze %dma_start3A_107 : memref<1x64xf32, #tpu.memory_space<vmem>> -> memref<64xf32, #tpu.memory_space<vmem>>
      %dma_start3A_109 = arith.constant 0 : i32
      %dma_start3A_110 = tpu.memref_slice %arg6[%squeeze3A_99, %dma_start3A_109] : memref<1000000x64xf32, #tpu.memory_space<hbm>> -> memref<1x64xf32, #tpu.memory_space<hbm>>
      %dma_start3A_111 = tpu.memref_squeeze %dma_start3A_110 : memref<1x64xf32, #tpu.memory_space<hbm>> -> memref<64xf32, #tpu.memory_space<hbm>>
      tpu.enqueue_dma source(%dma_start3A_111 : memref<64xf32, #tpu.memory_space<hbm>>) target(%dma_start3A_108 : memref<64xf32, #tpu.memory_space<vmem>>) target_semaphore(%arg17 : memref<!tpu.dma_semaphore, #tpu.memory_space<semaphore_mem>>)
      %mul3A_112 = arith.constant 8 : i32
      %mul3A_113 = arith.muli %scan3A_55, %mul3A_112 : i32
      %add3A_114 = arith.constant 0 : i32
      %add3A_115 = arith.addi %mul3A_113, %add3A_114 : i32
      %slice3A_116 = vector.extract_strided_slice %get3A_62 {offsets = [1], sizes = [1], strides = [1]} : vector<16xi32> to vector<1xi32>
      %squeeze3A_117 = vector.extract %slice3A_116[0] : i32 from vector<1xi32>
      %dma_start3A_118 = arith.constant 64 : i32
      %dma_start3A_119 = tpu.memref_slice %arg12[%add3A_115, %dma_start3A_118] : memref<256x128xf32, #tpu.memory_space<vmem>> -> memref<1x64xf32, #tpu.memory_space<vmem>>
      %dma_start3A_120 = tpu.memref_squeeze %dma_start3A_119 : memref<1x64xf32, #tpu.memory_space<vmem>> -> memref<64xf32, #tpu.memory_space<vmem>>
      %dma_start3A_121 = arith.constant 0 : i32
      %dma_start3A_122 = tpu.memref_slice %arg5[%squeeze3A_117, %dma_start3A_121] : memref<1000000x64xf32, #tpu.memory_space<hbm>> -> memref<1x64xf32, #tpu.memory_space<hbm>>
      %dma_start3A_123 = tpu.memref_squeeze %dma_start3A_122 : memref<1x64xf32, #tpu.memory_space<hbm>> -> memref<64xf32, #tpu.memory_space<hbm>>
      %dma_start3A_124 = arith.constant 64 : i32
      %dma_start3A_125 = tpu.memref_slice %arg12[%add3A_115, %dma_start3A_124] : memref<256x128xf32, #tpu.memory_space<vmem>> -> memref<1x64xf32, #tpu.memory_space<vmem>>
      %dma_start3A_126 = tpu.memref_squeeze %dma_start3A_125 : memref<1x64xf32, #tpu.memory_space<vmem>> -> memref<64xf32, #tpu.memory_space<vmem>>
      %dma_start3A_127 = arith.constant 0 : i32
      %dma_start3A_128 = tpu.memref_slice %arg5[%squeeze3A_117, %dma_start3A_127] : memref<1000000x64xf32, #tpu.memory_space<hbm>> -> memref<1x64xf32, #tpu.memory_space<hbm>>
      %dma_start3A_129 = tpu.memref_squeeze %dma_start3A_128 : memref<1x64xf32, #tpu.memory_space<hbm>> -> memref<64xf32, #tpu.memory_space<hbm>>
      tpu.enqueue_dma source(%dma_start3A_129 : memref<64xf32, #tpu.memory_space<hbm>>) target(%dma_start3A_126 : memref<64xf32, #tpu.memory_space<vmem>>) target_semaphore(%arg17 : memref<!tpu.dma_semaphore, #tpu.memory_space<semaphore_mem>>)
      %slice3A_130 = vector.extract_strided_slice %get3A_65 {offsets = [1], sizes = [1], strides = [1]} : vector<16xi32> to vector<1xi32>
      %squeeze3A_131 = vector.extract %slice3A_130[0] : i32 from vector<1xi32>
      %dma_start3A_132 = arith.constant 64 : i32
      %dma_start3A_133 = tpu.memref_slice %arg13[%add3A_115, %dma_start3A_132] : memref<256x128xf32, #tpu.memory_space<vmem>> -> memref<1x64xf32, #tpu.memory_space<vmem>>
      %dma_start3A_134 = tpu.memref_squeeze %dma_start3A_133 : memref<1x64xf32, #tpu.memory_space<vmem>> -> memref<64xf32, #tpu.memory_space<vmem>>
      %dma_start3A_135 = arith.constant 0 : i32
      %dma_start3A_136 = tpu.memref_slice %arg6[%squeeze3A_131, %dma_start3A_135] : memref<1000000x64xf32, #tpu.memory_space<hbm>> -> memref<1x64xf32, #tpu.memory_space<hbm>>
      %dma_start3A_137 = tpu.memref_squeeze %dma_start3A_136 : memref<1x64xf32, #tpu.memory_space<hbm>> -> memref<64xf32, #tpu.memory_space<hbm>>
      %dma_start3A_138 = arith.constant 64 : i32
      %dma_start3A_139 = tpu.memref_slice %arg13[%add3A_115, %dma_start3A_138] : memref<256x128xf32, #tpu.memory_space<vmem>> -> memref<1x64xf32, #tpu.memory_space<vmem>>
      %dma_start3A_140 = tpu.memref_squeeze %dma_start3A_139 : memref<1x64xf32, #tpu.memory_space<vmem>> -> memref<64xf32, #tpu.memory_space<vmem>>
      %dma_start3A_141 = arith.constant 0 : i32
      %dma_start3A_142 = tpu.memref_slice %arg6[%squeeze3A_131, %dma_start3A_141] : memref<1000000x64xf32, #tpu.memory_space<hbm>> -> memref<1x64xf32, #tpu.memory_space<hbm>>
      %dma_start3A_143 = tpu.memref_squeeze %dma_start3A_142 : memref<1x64xf32, #tpu.memory_space<hbm>> -> memref<64xf32, #tpu.memory_space<hbm>>
      tpu.enqueue_dma source(%dma_start3A_143 : memref<64xf32, #tpu.memory_space<hbm>>) target(%dma_start3A_140 : memref<64xf32, #tpu.memory_space<vmem>>) target_semaphore(%arg17 : memref<!tpu.dma_semaphore, #tpu.memory_space<semaphore_mem>>)
      %slice3A_144 = vector.extract_strided_slice %get3A_68 {offsets = [1], sizes = [1], strides = [1]} : vector<16xi32> to vector<1xi32>
      %squeeze3A_145 = vector.extract %slice3A_144[0] : i32 from vector<1xi32>
      %dma_start3A_146 = arith.constant 64 : i32
      %dma_start3A_147 = tpu.memref_slice %arg14[%add3A_115, %dma_start3A_146] : memref<256x128xf32, #tpu.memory_space<vmem>> -> memref<1x64xf32, #tpu.memory_space<vmem>>
      %dma_start3A_148 = tpu.memref_squeeze %dma_start3A_147 : memref<1x64xf32, #tpu.memory_space<vmem>> -> memref<64xf32, #tpu.memory_space<vmem>>
      %dma_start3A_149 = arith.constant 0 : i32
      %dma_start3A_150 = tpu.memref_slice %arg6[%squeeze3A_145, %dma_start3A_149] : memref<1000000x64xf32, #tpu.memory_space<hbm>> -> memref<1x64xf32, #tpu.memory_space<hbm>>
      %dma_start3A_151 = tpu.memref_squeeze %dma_start3A_150 : memref<1x64xf32, #tpu.memory_space<hbm>> -> memref<64xf32, #tpu.memory_space<hbm>>
      %dma_start3A_152 = arith.constant 64 : i32
      %dma_start3A_153 = tpu.memref_slice %arg14[%add3A_115, %dma_start3A_152] : memref<256x128xf32, #tpu.memory_space<vmem>> -> memref<1x64xf32, #tpu.memory_space<vmem>>
      %dma_start3A_154 = tpu.memref_squeeze %dma_start3A_153 : memref<1x64xf32, #tpu.memory_space<vmem>> -> memref<64xf32, #tpu.memory_space<vmem>>
      %dma_start3A_155 = arith.constant 0 : i32
      %dma_start3A_156 = tpu.memref_slice %arg6[%squeeze3A_145, %dma_start3A_155] : memref<1000000x64xf32, #tpu.memory_space<hbm>> -> memref<1x64xf32, #tpu.memory_space<hbm>>
      %dma_start3A_157 = tpu.memref_squeeze %dma_start3A_156 : memref<1x64xf32, #tpu.memory_space<hbm>> -> memref<64xf32, #tpu.memory_space<hbm>>
      tpu.enqueue_dma source(%dma_start3A_157 : memref<64xf32, #tpu.memory_space<hbm>>) target(%dma_start3A_154 : memref<64xf32, #tpu.memory_space<vmem>>) target_semaphore(%arg17 : memref<!tpu.dma_semaphore, #tpu.memory_space<semaphore_mem>>)
      %mul3A_158 = arith.constant 8 : i32
      %mul3A_159 = arith.muli %scan3A_55, %mul3A_158 : i32
      %add3A_160 = arith.constant 1 : i32
      %add3A_161 = arith.addi %mul3A_159, %add3A_160 : i32
      %slice3A_162 = vector.extract_strided_slice %get3A_62 {offsets = [2], sizes = [1], strides = [1]} : vector<16xi32> to vector<1xi32>
      %squeeze3A_163 = vector.extract %slice3A_162[0] : i32 from vector<1xi32>
      %dma_start3A_164 = arith.constant 0 : i32
      %dma_start3A_165 = tpu.memref_slice %arg12[%add3A_161, %dma_start3A_164] : memref<256x128xf32, #tpu.memory_space<vmem>> -> memref<1x64xf32, #tpu.memory_space<vmem>>
      %dma_start3A_166 = tpu.memref_squeeze %dma_start3A_165 : memref<1x64xf32, #tpu.memory_space<vmem>> -> memref<64xf32, #tpu.memory_space<vmem>>
      %dma_start3A_167 = arith.constant 0 : i32
      %dma_start3A_168 = tpu.memref_slice %arg5[%squeeze3A_163, %dma_start3A_167] : memref<1000000x64xf32, #tpu.memory_space<hbm>> -> memref<1x64xf32, #tpu.memory_space<hbm>>
      %dma_start3A_169 = tpu.memref_squeeze %dma_start3A_168 : memref<1x64xf32, #tpu.memory_space<hbm>> -> memref<64xf32, #tpu.memory_space<hbm>>
      %dma_start3A_170 = arith.constant 0 : i32
      %dma_start3A_171 = tpu.memref_slice %arg12[%add3A_161, %dma_start3A_170] : memref<256x128xf32, #tpu.memory_space<vmem>> -> memref<1x64xf32, #tpu.memory_space<vmem>>
      %dma_start3A_172 = tpu.memref_squeeze %dma_start3A_171 : memref<1x64xf32, #tpu.memory_space<vmem>> -> memref<64xf32, #tpu.memory_space<vmem>>
      %dma_start3A_173 = arith.constant 0 : i32
      %dma_start3A_174 = tpu.memref_slice %arg5[%squeeze3A_163, %dma_start3A_173] : memref<1000000x64xf32, #tpu.memory_space<hbm>> -> memref<1x64xf32, #tpu.memory_space<hbm>>
      %dma_start3A_175 = tpu.memref_squeeze %dma_start3A_174 : memref<1x64xf32, #tpu.memory_space<hbm>> -> memref<64xf32, #tpu.memory_space<hbm>>
      tpu.enqueue_dma source(%dma_start3A_175 : memref<64xf32, #tpu.memory_space<hbm>>) target(%dma_start3A_172 : memref<64xf32, #tpu.memory_space<vmem>>) target_semaphore(%arg17 : memref<!tpu.dma_semaphore, #tpu.memory_space<semaphore_mem>>)
      %slice3A_176 = vector.extract_strided_slice %get3A_65 {offsets = [2], sizes = [1], strides = [1]} : vector<16xi32> to vector<1xi32>
      %squeeze3A_177 = vector.extract %slice3A_176[0] : i32 from vector<1xi32>
      %dma_start3A_178 = arith.constant 0 : i32
      %dma_start3A_179 = tpu.memref_slice %arg13[%add3A_161, %dma_start3A_178] : memref<256x128xf32, #tpu.memory_space<vmem>> -> memref<1x64xf32, #tpu.memory_space<vmem>>
      %dma_start3A_180 = tpu.memref_squeeze %dma_start3A_179 : memref<1x64xf32, #tpu.memory_space<vmem>> -> memref<64xf32, #tpu.memory_space<vmem>>
      %dma_start3A_181 = arith.constant 0 : i32
      %dma_start3A_182 = tpu.memref_slice %arg6[%squeeze3A_177, %dma_start3A_181] : memref<1000000x64xf32, #tpu.memory_space<hbm>> -> memref<1x64xf32, #tpu.memory_space<hbm>>
      %dma_start3A_183 = tpu.memref_squeeze %dma_start3A_182 : memref<1x64xf32, #tpu.memory_space<hbm>> -> memref<64xf32, #tpu.memory_space<hbm>>
      %dma_start3A_184 = arith.constant 0 : i32
      %dma_start3A_185 = tpu.memref_slice %arg13[%add3A_161, %dma_start3A_184] : memref<256x128xf32, #tpu.memory_space<vmem>> -> memref<1x64xf32, #tpu.memory_space<vmem>>
      %dma_start3A_186 = tpu.memref_squeeze %dma_start3A_185 : memref<1x64xf32, #tpu.memory_space<vmem>> -> memref<64xf32, #tpu.memory_space<vmem>>
      %dma_start3A_187 = arith.constant 0 : i32
      %dma_start3A_188 = tpu.memref_slice %arg6[%squeeze3A_177, %dma_start3A_187] : memref<1000000x64xf32, #tpu.memory_space<hbm>> -> memref<1x64xf32, #tpu.memory_space<hbm>>
      %dma_start3A_189 = tpu.memref_squeeze %dma_start3A_188 : memref<1x64xf32, #tpu.memory_space<hbm>> -> memref<64xf32, #tpu.memory_space<hbm>>
      tpu.enqueue_dma source(%dma_start3A_189 : memref<64xf32, #tpu.memory_space<hbm>>) target(%dma_start3A_186 : memref<64xf32, #tpu.memory_space<vmem>>) target_semaphore(%arg17 : memref<!tpu.dma_semaphore, #tpu.memory_space<semaphore_mem>>)
      %slice3A_190 = vector.extract_strided_slice %get3A_68 {offsets = [2], sizes = [1], strides = [1]} : vector<16xi32> to vector<1xi32>
      %squeeze3A_191 = vector.extract %slice3A_190[0] : i32 from vector<1xi32>
      %dma_start3A_192 = arith.constant 0 : i32
      %dma_start3A_193 = tpu.memref_slice %arg14[%add3A_161, %dma_start3A_192] : memref<256x128xf32, #tpu.memory_space<vmem>> -> memref<1x64xf32, #tpu.memory_space<vmem>>
      %dma_start3A_194 = tpu.memref_squeeze %dma_start3A_193 : memref<1x64xf32, #tpu.memory_space<vmem>> -> memref<64xf32, #tpu.memory_space<vmem>>
      %dma_start3A_195 = arith.constant 0 : i32
      %dma_start3A_196 = tpu.memref_slice %arg6[%squeeze3A_191, %dma_start3A_195] : memref<1000000x64xf32, #tpu.memory_space<hbm>> -> memref<1x64xf32, #tpu.memory_space<hbm>>
      %dma_start3A_197 = tpu.memref_squeeze %dma_start3A_196 : memref<1x64xf32, #tpu.memory_space<hbm>> -> memref<64xf32, #tpu.memory_space<hbm>>
      %dma_start3A_198 = arith.constant 0 : i32
      %dma_start3A_199 = tpu.memref_slice %arg14[%add3A_161, %dma_start3A_198] : memref<256x128xf32, #tpu.memory_space<vmem>> -> memref<1x64xf32, #tpu.memory_space<vmem>>
      %dma_start3A_200 = tpu.memref_squeeze %dma_start3A_199 : memref<1x64xf32, #tpu.memory_space<vmem>> -> memref<64xf32, #tpu.memory_space<vmem>>
      %dma_start3A_201 = arith.constant 0 : i32
      %dma_start3A_202 = tpu.memref_slice %arg6[%squeeze3A_191, %dma_start3A_201] : memref<1000000x64xf32, #tpu.memory_space<hbm>> -> memref<1x64xf32, #tpu.memory_space<hbm>>
      %dma_start3A_203 = tpu.memref_squeeze %dma_start3A_202 : memref<1x64xf32, #tpu.memory_space<hbm>> -> memref<64xf32, #tpu.memory_space<hbm>>
      tpu.enqueue_dma source(%dma_start3A_203 : memref<64xf32, #tpu.memory_space<hbm>>) target(%dma_start3A_200 : memref<64xf32, #tpu.memory_space<vmem>>) target_semaphore(%arg17 : memref<!tpu.dma_semaphore, #tpu.memory_space<semaphore_mem>>)
      %mul3A_204 = arith.constant 8 : i32
      %mul3A_205 = arith.muli %scan3A_55, %mul3A_204 : i32
      %add3A_206 = arith.constant 1 : i32
      %add3A_207 = arith.addi %mul3A_205, %add3A_206 : i32
      %slice3A_208 = vector.extract_strided_slice %get3A_62 {offsets = [3], sizes = [1], strides = [1]} : vector<16xi32> to vector<1xi32>
      %squeeze3A_209 = vector.extract %slice3A_208[0] : i32 from vector<1xi32>
      %dma_start3A_210 = arith.constant 64 : i32
      %dma_start3A_211 = tpu.memref_slice %arg12[%add3A_207, %dma_start3A_210] : memref<256x128xf32, #tpu.memory_space<vmem>> -> memref<1x64xf32, #tpu.memory_space<vmem>>
      %dma_start3A_212 = tpu.memref_squeeze %dma_start3A_211 : memref<1x64xf32, #tpu.memory_space<vmem>> -> memref<64xf32, #tpu.memory_space<vmem>>
      %dma_start3A_213 = arith.constant 0 : i32
      %dma_start3A_214 = tpu.memref_slice %arg5[%squeeze3A_209, %dma_start3A_213] : memref<1000000x64xf32, #tpu.memory_space<hbm>> -> memref<1x64xf32, #tpu.memory_space<hbm>>
      %dma_start3A_215 = tpu.memref_squeeze %dma_start3A_214 : memref<1x64xf32, #tpu.memory_space<hbm>> -> memref<64xf32, #tpu.memory_space<hbm>>
      %dma_start3A_216 = arith.constant 64 : i32
      %dma_start3A_217 = tpu.memref_slice %arg12[%add3A_207, %dma_start3A_216] : memref<256x128xf32, #tpu.memory_space<vmem>> -> memref<1x64xf32, #tpu.memory_space<vmem>>
      %dma_start3A_218 = tpu.memref_squeeze %dma_start3A_217 : memref<1x64xf32, #tpu.memory_space<vmem>> -> memref<64xf32, #tpu.memory_space<vmem>>
      %dma_start3A_219 = arith.constant 0 : i32
      %dma_start3A_220 = tpu.memref_slice %arg5[%squeeze3A_209, %dma_start3A_219] : memref<1000000x64xf32, #tpu.memory_space<hbm>> -> memref<1x64xf32, #tpu.memory_space<hbm>>
      %dma_start3A_221 = tpu.memref_squeeze %dma_start3A_220 : memref<1x64xf32, #tpu.memory_space<hbm>> -> memref<64xf32, #tpu.memory_space<hbm>>
      tpu.enqueue_dma source(%dma_start3A_221 : memref<64xf32, #tpu.memory_space<hbm>>) target(%dma_start3A_218 : memref<64xf32, #tpu.memory_space<vmem>>) target_semaphore(%arg17 : memref<!tpu.dma_semaphore, #tpu.memory_space<semaphore_mem>>)
      %slice3A_222 = vector.extract_strided_slice %get3A_65 {offsets = [3], sizes = [1], strides = [1]} : vector<16xi32> to vector<1xi32>
      %squeeze3A_223 = vector.extract %slice3A_222[0] : i32 from vector<1xi32>
      %dma_start3A_224 = arith.constant 64 : i32
      %dma_start3A_225 = tpu.memref_slice %arg13[%add3A_207, %dma_start3A_224] : memref<256x128xf32, #tpu.memory_space<vmem>> -> memref<1x64xf32, #tpu.memory_space<vmem>>
      %dma_start3A_226 = tpu.memref_squeeze %dma_start3A_225 : memref<1x64xf32, #tpu.memory_space<vmem>> -> memref<64xf32, #tpu.memory_space<vmem>>
      %dma_start3A_227 = arith.constant 0 : i32
      %dma_start3A_228 = tpu.memref_slice %arg6[%squeeze3A_223, %dma_start3A_227] : memref<1000000x64xf32, #tpu.memory_space<hbm>> -> memref<1x64xf32, #tpu.memory_space<hbm>>
      %dma_start3A_229 = tpu.memref_squeeze %dma_start3A_228 : memref<1x64xf32, #tpu.memory_space<hbm>> -> memref<64xf32, #tpu.memory_space<hbm>>
      %dma_start3A_230 = arith.constant 64 : i32
      %dma_start3A_231 = tpu.memref_slice %arg13[%add3A_207, %dma_start3A_230] : memref<256x128xf32, #tpu.memory_space<vmem>> -> memref<1x64xf32, #tpu.memory_space<vmem>>
      %dma_start3A_232 = tpu.memref_squeeze %dma_start3A_231 : memref<1x64xf32, #tpu.memory_space<vmem>> -> memref<64xf32, #tpu.memory_space<vmem>>
      %dma_start3A_233 = arith.constant 0 : i32
      %dma_start3A_234 = tpu.memref_slice %arg6[%squeeze3A_223, %dma_start3A_233] : memref<1000000x64xf32, #tpu.memory_space<hbm>> -> memref<1x64xf32, #tpu.memory_space<hbm>>
      %dma_start3A_235 = tpu.memref_squeeze %dma_start3A_234 : memref<1x64xf32, #tpu.memory_space<hbm>> -> memref<64xf32, #tpu.memory_space<hbm>>
      tpu.enqueue_dma source(%dma_start3A_235 : memref<64xf32, #tpu.memory_space<hbm>>) target(%dma_start3A_232 : memref<64xf32, #tpu.memory_space<vmem>>) target_semaphore(%arg17 : memref<!tpu.dma_semaphore, #tpu.memory_space<semaphore_mem>>)
      %slice3A_236 = vector.extract_strided_slice %get3A_68 {offsets = [3], sizes = [1], strides = [1]} : vector<16xi32> to vector<1xi32>
      %squeeze3A_237 = vector.extract %slice3A_236[0] : i32 from vector<1xi32>
      %dma_start3A_238 = arith.constant 64 : i32
      %dma_start3A_239 = tpu.memref_slice %arg14[%add3A_207, %dma_start3A_238] : memref<256x128xf32, #tpu.memory_space<vmem>> -> memref<1x64xf32, #tpu.memory_space<vmem>>
      %dma_start3A_240 = tpu.memref_squeeze %dma_start3A_239 : memref<1x64xf32, #tpu.memory_space<vmem>> -> memref<64xf32, #tpu.memory_space<vmem>>
      %dma_start3A_241 = arith.constant 0 : i32
      %dma_start3A_242 = tpu.memref_slice %arg6[%squeeze3A_237, %dma_start3A_241] : memref<1000000x64xf32, #tpu.memory_space<hbm>> -> memref<1x64xf32, #tpu.memory_space<hbm>>
      %dma_start3A_243 = tpu.memref_squeeze %dma_start3A_242 : memref<1x64xf32, #tpu.memory_space<hbm>> -> memref<64xf32, #tpu.memory_space<hbm>>
      %dma_start3A_244 = arith.constant 64 : i32
      %dma_start3A_245 = tpu.memref_slice %arg14[%add3A_207, %dma_start3A_244] : memref<256x128xf32, #tpu.memory_space<vmem>> -> memref<1x64xf32, #tpu.memory_space<vmem>>
      %dma_start3A_246 = tpu.memref_squeeze %dma_start3A_245 : memref<1x64xf32, #tpu.memory_space<vmem>> -> memref<64xf32, #tpu.memory_space<vmem>>
      %dma_start3A_247 = arith.constant 0 : i32
      %dma_start3A_248 = tpu.memref_slice %arg6[%squeeze3A_237, %dma_start3A_247] : memref<1000000x64xf32, #tpu.memory_space<hbm>> -> memref<1x64xf32, #tpu.memory_space<hbm>>
      %dma_start3A_249 = tpu.memref_squeeze %dma_start3A_248 : memref<1x64xf32, #tpu.memory_space<hbm>> -> memref<64xf32, #tpu.memory_space<hbm>>
      tpu.enqueue_dma source(%dma_start3A_249 : memref<64xf32, #tpu.memory_space<hbm>>) target(%dma_start3A_246 : memref<64xf32, #tpu.memory_space<vmem>>) target_semaphore(%arg17 : memref<!tpu.dma_semaphore, #tpu.memory_space<semaphore_mem>>)
      %mul3A_250 = arith.constant 8 : i32
      %mul3A_251 = arith.muli %scan3A_55, %mul3A_250 : i32
      %add3A_252 = arith.constant 2 : i32
      %add3A_253 = arith.addi %mul3A_251, %add3A_252 : i32
      %slice3A_254 = vector.extract_strided_slice %get3A_62 {offsets = [4], sizes = [1], strides = [1]} : vector<16xi32> to vector<1xi32>
      %squeeze3A_255 = vector.extract %slice3A_254[0] : i32 from vector<1xi32>
      %dma_start3A_256 = arith.constant 0 : i32
      %dma_start3A_257 = tpu.memref_slice %arg12[%add3A_253, %dma_start3A_256] : memref<256x128xf32, #tpu.memory_space<vmem>> -> memref<1x64xf32, #tpu.memory_space<vmem>>
      %dma_start3A_258 = tpu.memref_squeeze %dma_start3A_257 : memref<1x64xf32, #tpu.memory_space<vmem>> -> memref<64xf32, #tpu.memory_space<vmem>>
      %dma_start3A_259 = arith.constant 0 : i32
      %dma_start3A_260 = tpu.memref_slice %arg5[%squeeze3A_255, %dma_start3A_259] : memref<1000000x64xf32, #tpu.memory_space<hbm>> -> memref<1x64xf32, #tpu.memory_space<hbm>>
      %dma_start3A_261 = tpu.memref_squeeze %dma_start3A_260 : memref<1x64xf32, #tpu.memory_space<hbm>> -> memref<64xf32, #tpu.memory_space<hbm>>
      %dma_start3A_262 = arith.constant 0 : i32
      %dma_start3A_263 = tpu.memref_slice %arg12[%add3A_253, %dma_start3A_262] : memref<256x128xf32, #tpu.memory_space<vmem>> -> memref<1x64xf32, #tpu.memory_space<vmem>>
      %dma_start3A_264 = tpu.memref_squeeze %dma_start3A_263 : memref<1x64xf32, #tpu.memory_space<vmem>> -> memref<64xf32, #tpu.memory_space<vmem>>
      %dma_start3A_265 = arith.constant 0 : i32
      %dma_start3A_266 = tpu.memref_slice %arg5[%squeeze3A_255, %dma_start3A_265] : memref<1000000x64xf32, #tpu.memory_space<hbm>> -> memref<1x64xf32, #tpu.memory_space<hbm>>
      %dma_start3A_267 = tpu.memref_squeeze %dma_start3A_266 : memref<1x64xf32, #tpu.memory_space<hbm>> -> memref<64xf32, #tpu.memory_space<hbm>>
      tpu.enqueue_dma source(%dma_start3A_267 : memref<64xf32, #tpu.memory_space<hbm>>) target(%dma_start3A_264 : memref<64xf32, #tpu.memory_space<vmem>>) target_semaphore(%arg17 : memref<!tpu.dma_semaphore, #tpu.memory_space<semaphore_mem>>)
      %slice3A_268 = vector.extract_strided_slice %get3A_65 {offsets = [4], sizes = [1], strides = [1]} : vector<16xi32> to vector<1xi32>
      %squeeze3A_269 = vector.extract %slice3A_268[0] : i32 from vector<1xi32>
      %dma_start3A_270 = arith.constant 0 : i32
      %dma_start3A_271 = tpu.memref_slice %arg13[%add3A_253, %dma_start3A_270] : memref<256x128xf32, #tpu.memory_space<vmem>> -> memref<1x64xf32, #tpu.memory_space<vmem>>
      %dma_start3A_272 = tpu.memref_squeeze %dma_start3A_271 : memref<1x64xf32, #tpu.memory_space<vmem>> -> memref<64xf32, #tpu.memory_space<vmem>>
      %dma_start3A_273 = arith.constant 0 : i32
      %dma_start3A_274 = tpu.memref_slice %arg6[%squeeze3A_269, %dma_start3A_273] : memref<1000000x64xf32, #tpu.memory_space<hbm>> -> memref<1x64xf32, #tpu.memory_space<hbm>>
      %dma_start3A_275 = tpu.memref_squeeze %dma_start3A_274 : memref<1x64xf32, #tpu.memory_space<hbm>> -> memref<64xf32, #tpu.memory_space<hbm>>
      %dma_start3A_276 = arith.constant 0 : i32
      %dma_start3A_277 = tpu.memref_slice %arg13[%add3A_253, %dma_start3A_276] : memref<256x128xf32, #tpu.memory_space<vmem>> -> memref<1x64xf32, #tpu.memory_space<vmem>>
      %dma_start3A_278 = tpu.memref_squeeze %dma_start3A_277 : memref<1x64xf32, #tpu.memory_space<vmem>> -> memref<64xf32, #tpu.memory_space<vmem>>
      %dma_start3A_279 = arith.constant 0 : i32
      %dma_start3A_280 = tpu.memref_slice %arg6[%squeeze3A_269, %dma_start3A_279] : memref<1000000x64xf32, #tpu.memory_space<hbm>> -> memref<1x64xf32, #tpu.memory_space<hbm>>
      %dma_start3A_281 = tpu.memref_squeeze %dma_start3A_280 : memref<1x64xf32, #tpu.memory_space<hbm>> -> memref<64xf32, #tpu.memory_space<hbm>>
      tpu.enqueue_dma source(%dma_start3A_281 : memref<64xf32, #tpu.memory_space<hbm>>) target(%dma_start3A_278 : memref<64xf32, #tpu.memory_space<vmem>>) target_semaphore(%arg17 : memref<!tpu.dma_semaphore, #tpu.memory_space<semaphore_mem>>)
      %slice3A_282 = vector.extract_strided_slice %get3A_68 {offsets = [4], sizes = [1], strides = [1]} : vector<16xi32> to vector<1xi32>
      %squeeze3A_283 = vector.extract %slice3A_282[0] : i32 from vector<1xi32>
      %dma_start3A_284 = arith.constant 0 : i32
      %dma_start3A_285 = tpu.memref_slice %arg14[%add3A_253, %dma_start3A_284] : memref<256x128xf32, #tpu.memory_space<vmem>> -> memref<1x64xf32, #tpu.memory_space<vmem>>
      %dma_start3A_286 = tpu.memref_squeeze %dma_start3A_285 : memref<1x64xf32, #tpu.memory_space<vmem>> -> memref<64xf32, #tpu.memory_space<vmem>>
      %dma_start3A_287 = arith.constant 0 : i32
      %dma_start3A_288 = tpu.memref_slice %arg6[%squeeze3A_283, %dma_start3A_287] : memref<1000000x64xf32, #tpu.memory_space<hbm>> -> memref<1x64xf32, #tpu.memory_space<hbm>>
      %dma_start3A_289 = tpu.memref_squeeze %dma_start3A_288 : memref<1x64xf32, #tpu.memory_space<hbm>> -> memref<64xf32, #tpu.memory_space<hbm>>
      %dma_start3A_290 = arith.constant 0 : i32
      %dma_start3A_291 = tpu.memref_slice %arg14[%add3A_253, %dma_start3A_290] : memref<256x128xf32, #tpu.memory_space<vmem>> -> memref<1x64xf32, #tpu.memory_space<vmem>>
      %dma_start3A_292 = tpu.memref_squeeze %dma_start3A_291 : memref<1x64xf32, #tpu.memory_space<vmem>> -> memref<64xf32, #tpu.memory_space<vmem>>
      %dma_start3A_293 = arith.constant 0 : i32
      %dma_start3A_294 = tpu.memref_slice %arg6[%squeeze3A_283, %dma_start3A_293] : memref<1000000x64xf32, #tpu.memory_space<hbm>> -> memref<1x64xf32, #tpu.memory_space<hbm>>
      %dma_start3A_295 = tpu.memref_squeeze %dma_start3A_294 : memref<1x64xf32, #tpu.memory_space<hbm>> -> memref<64xf32, #tpu.memory_space<hbm>>
      tpu.enqueue_dma source(%dma_start3A_295 : memref<64xf32, #tpu.memory_space<hbm>>) target(%dma_start3A_292 : memref<64xf32, #tpu.memory_space<vmem>>) target_semaphore(%arg17 : memref<!tpu.dma_semaphore, #tpu.memory_space<semaphore_mem>>)
      %mul3A_296 = arith.constant 8 : i32
      %mul3A_297 = arith.muli %scan3A_55, %mul3A_296 : i32
      %add3A_298 = arith.constant 2 : i32
      %add3A_299 = arith.addi %mul3A_297, %add3A_298 : i32
      %slice3A_300 = vector.extract_strided_slice %get3A_62 {offsets = [5], sizes = [1], strides = [1]} : vector<16xi32> to vector<1xi32>
      %squeeze3A_301 = vector.extract %slice3A_300[0] : i32 from vector<1xi32>
      %dma_start3A_302 = arith.constant 64 : i32
      %dma_start3A_303 = tpu.memref_slice %arg12[%add3A_299, %dma_start3A_302] : memref<256x128xf32, #tpu.memory_space<vmem>> -> memref<1x64xf32, #tpu.memory_space<vmem>>
      %dma_start3A_304 = tpu.memref_squeeze %dma_start3A_303 : memref<1x64xf32, #tpu.memory_space<vmem>> -> memref<64xf32, #tpu.memory_space<vmem>>
      %dma_start3A_305 = arith.constant 0 : i32
      %dma_start3A_306 = tpu.memref_slice %arg5[%squeeze3A_301, %dma_start3A_305] : memref<1000000x64xf32, #tpu.memory_space<hbm>> -> memref<1x64xf32, #tpu.memory_space<hbm>>
      %dma_start3A_307 = tpu.memref_squeeze %dma_start3A_306 : memref<1x64xf32, #tpu.memory_space<hbm>> -> memref<64xf32, #tpu.memory_space<hbm>>
      %dma_start3A_308 = arith.constant 64 : i32
      %dma_start3A_309 = tpu.memref_slice %arg12[%add3A_299, %dma_start3A_308] : memref<256x128xf32, #tpu.memory_space<vmem>> -> memref<1x64xf32, #tpu.memory_space<vmem>>
      %dma_start3A_310 = tpu.memref_squeeze %dma_start3A_309 : memref<1x64xf32, #tpu.memory_space<vmem>> -> memref<64xf32, #tpu.memory_space<vmem>>
      %dma_start3A_311 = arith.constant 0 : i32
      %dma_start3A_312 = tpu.memref_slice %arg5[%squeeze3A_301, %dma_start3A_311] : memref<1000000x64xf32, #tpu.memory_space<hbm>> -> memref<1x64xf32, #tpu.memory_space<hbm>>
      %dma_start3A_313 = tpu.memref_squeeze %dma_start3A_312 : memref<1x64xf32, #tpu.memory_space<hbm>> -> memref<64xf32, #tpu.memory_space<hbm>>
      tpu.enqueue_dma source(%dma_start3A_313 : memref<64xf32, #tpu.memory_space<hbm>>) target(%dma_start3A_310 : memref<64xf32, #tpu.memory_space<vmem>>) target_semaphore(%arg17 : memref<!tpu.dma_semaphore, #tpu.memory_space<semaphore_mem>>)
      %slice3A_314 = vector.extract_strided_slice %get3A_65 {offsets = [5], sizes = [1], strides = [1]} : vector<16xi32> to vector<1xi32>
      %squeeze3A_315 = vector.extract %slice3A_314[0] : i32 from vector<1xi32>
      %dma_start3A_316 = arith.constant 64 : i32
      %dma_start3A_317 = tpu.memref_slice %arg13[%add3A_299, %dma_start3A_316] : memref<256x128xf32, #tpu.memory_space<vmem>> -> memref<1x64xf32, #tpu.memory_space<vmem>>
      %dma_start3A_318 = tpu.memref_squeeze %dma_start3A_317 : memref<1x64xf32, #tpu.memory_space<vmem>> -> memref<64xf32, #tpu.memory_space<vmem>>
      %dma_start3A_319 = arith.constant 0 : i32
      %dma_start3A_320 = tpu.memref_slice %arg6[%squeeze3A_315, %dma_start3A_319] : memref<1000000x64xf32, #tpu.memory_space<hbm>> -> memref<1x64xf32, #tpu.memory_space<hbm>>
      %dma_start3A_321 = tpu.memref_squeeze %dma_start3A_320 : memref<1x64xf32, #tpu.memory_space<hbm>> -> memref<64xf32, #tpu.memory_space<hbm>>
      %dma_start3A_322 = arith.constant 64 : i32
      %dma_start3A_323 = tpu.memref_slice %arg13[%add3A_299, %dma_start3A_322] : memref<256x128xf32, #tpu.memory_space<vmem>> -> memref<1x64xf32, #tpu.memory_space<vmem>>
      %dma_start3A_324 = tpu.memref_squeeze %dma_start3A_323 : memref<1x64xf32, #tpu.memory_space<vmem>> -> memref<64xf32, #tpu.memory_space<vmem>>
      %dma_start3A_325 = arith.constant 0 : i32
      %dma_start3A_326 = tpu.memref_slice %arg6[%squeeze3A_315, %dma_start3A_325] : memref<1000000x64xf32, #tpu.memory_space<hbm>> -> memref<1x64xf32, #tpu.memory_space<hbm>>
      %dma_start3A_327 = tpu.memref_squeeze %dma_start3A_326 : memref<1x64xf32, #tpu.memory_space<hbm>> -> memref<64xf32, #tpu.memory_space<hbm>>
      tpu.enqueue_dma source(%dma_start3A_327 : memref<64xf32, #tpu.memory_space<hbm>>) target(%dma_start3A_324 : memref<64xf32, #tpu.memory_space<vmem>>) target_semaphore(%arg17 : memref<!tpu.dma_semaphore, #tpu.memory_space<semaphore_mem>>)
      %slice3A_328 = vector.extract_strided_slice %get3A_68 {offsets = [5], sizes = [1], strides = [1]} : vector<16xi32> to vector<1xi32>
      %squeeze3A_329 = vector.extract %slice3A_328[0] : i32 from vector<1xi32>
      %dma_start3A_330 = arith.constant 64 : i32
      %dma_start3A_331 = tpu.memref_slice %arg14[%add3A_299, %dma_start3A_330] : memref<256x128xf32, #tpu.memory_space<vmem>> -> memref<1x64xf32, #tpu.memory_space<vmem>>
      %dma_start3A_332 = tpu.memref_squeeze %dma_start3A_331 : memref<1x64xf32, #tpu.memory_space<vmem>> -> memref<64xf32, #tpu.memory_space<vmem>>
      %dma_start3A_333 = arith.constant 0 : i32
      %dma_start3A_334 = tpu.memref_slice %arg6[%squeeze3A_329, %dma_start3A_333] : memref<1000000x64xf32, #tpu.memory_space<hbm>> -> memref<1x64xf32, #tpu.memory_space<hbm>>
      %dma_start3A_335 = tpu.memref_squeeze %dma_start3A_334 : memref<1x64xf32, #tpu.memory_space<hbm>> -> memref<64xf32, #tpu.memory_space<hbm>>
      %dma_start3A_336 = arith.constant 64 : i32
      %dma_start3A_337 = tpu.memref_slice %arg14[%add3A_299, %dma_start3A_336] : memref<256x128xf32, #tpu.memory_space<vmem>> -> memref<1x64xf32, #tpu.memory_space<vmem>>
      %dma_start3A_338 = tpu.memref_squeeze %dma_start3A_337 : memref<1x64xf32, #tpu.memory_space<vmem>> -> memref<64xf32, #tpu.memory_space<vmem>>
      %dma_start3A_339 = arith.constant 0 : i32
      %dma_start3A_340 = tpu.memref_slice %arg6[%squeeze3A_329, %dma_start3A_339] : memref<1000000x64xf32, #tpu.memory_space<hbm>> -> memref<1x64xf32, #tpu.memory_space<hbm>>
      %dma_start3A_341 = tpu.memref_squeeze %dma_start3A_340 : memref<1x64xf32, #tpu.memory_space<hbm>> -> memref<64xf32, #tpu.memory_space<hbm>>
      tpu.enqueue_dma source(%dma_start3A_341 : memref<64xf32, #tpu.memory_space<hbm>>) target(%dma_start3A_338 : memref<64xf32, #tpu.memory_space<vmem>>) target_semaphore(%arg17 : memref<!tpu.dma_semaphore, #tpu.memory_space<semaphore_mem>>)
      %mul3A_342 = arith.constant 8 : i32
      %mul3A_343 = arith.muli %scan3A_55, %mul3A_342 : i32
      %add3A_344 = arith.constant 3 : i32
      %add3A_345 = arith.addi %mul3A_343, %add3A_344 : i32
      %slice3A_346 = vector.extract_strided_slice %get3A_62 {offsets = [6], sizes = [1], strides = [1]} : vector<16xi32> to vector<1xi32>
      %squeeze3A_347 = vector.extract %slice3A_346[0] : i32 from vector<1xi32>
      %dma_start3A_348 = arith.constant 0 : i32
      %dma_start3A_349 = tpu.memref_slice %arg12[%add3A_345, %dma_start3A_348] : memref<256x128xf32, #tpu.memory_space<vmem>> -> memref<1x64xf32, #tpu.memory_space<vmem>>
      %dma_start3A_350 = tpu.memref_squeeze %dma_start3A_349 : memref<1x64xf32, #tpu.memory_space<vmem>> -> memref<64xf32, #tpu.memory_space<vmem>>
      %dma_start3A_351 = arith.constant 0 : i32
      %dma_start3A_352 = tpu.memref_slice %arg5[%squeeze3A_347, %dma_start3A_351] : memref<1000000x64xf32, #tpu.memory_space<hbm>> -> memref<1x64xf32, #tpu.memory_space<hbm>>
      %dma_start3A_353 = tpu.memref_squeeze %dma_start3A_352 : memref<1x64xf32, #tpu.memory_space<hbm>> -> memref<64xf32, #tpu.memory_space<hbm>>
      %dma_start3A_354 = arith.constant 0 : i32
      %dma_start3A_355 = tpu.memref_slice %arg12[%add3A_345, %dma_start3A_354] : memref<256x128xf32, #tpu.memory_space<vmem>> -> memref<1x64xf32, #tpu.memory_space<vmem>>
      %dma_start3A_356 = tpu.memref_squeeze %dma_start3A_355 : memref<1x64xf32, #tpu.memory_space<vmem>> -> memref<64xf32, #tpu.memory_space<vmem>>
      %dma_start3A_357 = arith.constant 0 : i32
      %dma_start3A_358 = tpu.memref_slice %arg5[%squeeze3A_347, %dma_start3A_357] : memref<1000000x64xf32, #tpu.memory_space<hbm>> -> memref<1x64xf32, #tpu.memory_space<hbm>>
      %dma_start3A_359 = tpu.memref_squeeze %dma_start3A_358 : memref<1x64xf32, #tpu.memory_space<hbm>> -> memref<64xf32, #tpu.memory_space<hbm>>
      tpu.enqueue_dma source(%dma_start3A_359 : memref<64xf32, #tpu.memory_space<hbm>>) target(%dma_start3A_356 : memref<64xf32, #tpu.memory_space<vmem>>) target_semaphore(%arg17 : memref<!tpu.dma_semaphore, #tpu.memory_space<semaphore_mem>>)
      %slice3A_360 = vector.extract_strided_slice %get3A_65 {offsets = [6], sizes = [1], strides = [1]} : vector<16xi32> to vector<1xi32>
      %squeeze3A_361 = vector.extract %slice3A_360[0] : i32 from vector<1xi32>
      %dma_start3A_362 = arith.constant 0 : i32
      %dma_start3A_363 = tpu.memref_slice %arg13[%add3A_345, %dma_start3A_362] : memref<256x128xf32, #tpu.memory_space<vmem>> -> memref<1x64xf32, #tpu.memory_space<vmem>>
      %dma_start3A_364 = tpu.memref_squeeze %dma_start3A_363 : memref<1x64xf32, #tpu.memory_space<vmem>> -> memref<64xf32, #tpu.memory_space<vmem>>
      %dma_start3A_365 = arith.constant 0 : i32
      %dma_start3A_366 = tpu.memref_slice %arg6[%squeeze3A_361, %dma_start3A_365] : memref<1000000x64xf32, #tpu.memory_space<hbm>> -> memref<1x64xf32, #tpu.memory_space<hbm>>
      %dma_start3A_367 = tpu.memref_squeeze %dma_start3A_366 : memref<1x64xf32, #tpu.memory_space<hbm>> -> memref<64xf32, #tpu.memory_space<hbm>>
      %dma_start3A_368 = arith.constant 0 : i32
      %dma_start3A_369 = tpu.memref_slice %arg13[%add3A_345, %dma_start3A_368] : memref<256x128xf32, #tpu.memory_space<vmem>> -> memref<1x64xf32, #tpu.memory_space<vmem>>
      %dma_start3A_370 = tpu.memref_squeeze %dma_start3A_369 : memref<1x64xf32, #tpu.memory_space<vmem>> -> memref<64xf32, #tpu.memory_space<vmem>>
      %dma_start3A_371 = arith.constant 0 : i32
      %dma_start3A_372 = tpu.memref_slice %arg6[%squeeze3A_361, %dma_start3A_371] : memref<1000000x64xf32, #tpu.memory_space<hbm>> -> memref<1x64xf32, #tpu.memory_space<hbm>>
      %dma_start3A_373 = tpu.memref_squeeze %dma_start3A_372 : memref<1x64xf32, #tpu.memory_space<hbm>> -> memref<64xf32, #tpu.memory_space<hbm>>
      tpu.enqueue_dma source(%dma_start3A_373 : memref<64xf32, #tpu.memory_space<hbm>>) target(%dma_start3A_370 : memref<64xf32, #tpu.memory_space<vmem>>) target_semaphore(%arg17 : memref<!tpu.dma_semaphore, #tpu.memory_space<semaphore_mem>>)
      %slice3A_374 = vector.extract_strided_slice %get3A_68 {offsets = [6], sizes = [1], strides = [1]} : vector<16xi32> to vector<1xi32>
      %squeeze3A_375 = vector.extract %slice3A_374[0] : i32 from vector<1xi32>
      %dma_start3A_376 = arith.constant 0 : i32
      %dma_start3A_377 = tpu.memref_slice %arg14[%add3A_345, %dma_start3A_376] : memref<256x128xf32, #tpu.memory_space<vmem>> -> memref<1x64xf32, #tpu.memory_space<vmem>>
      %dma_start3A_378 = tpu.memref_squeeze %dma_start3A_377 : memref<1x64xf32, #tpu.memory_space<vmem>> -> memref<64xf32, #tpu.memory_space<vmem>>
      %dma_start3A_379 = arith.constant 0 : i32
      %dma_start3A_380 = tpu.memref_slice %arg6[%squeeze3A_375, %dma_start3A_379] : memref<1000000x64xf32, #tpu.memory_space<hbm>> -> memref<1x64xf32, #tpu.memory_space<hbm>>
      %dma_start3A_381 = tpu.memref_squeeze %dma_start3A_380 : memref<1x64xf32, #tpu.memory_space<hbm>> -> memref<64xf32, #tpu.memory_space<hbm>>
      %dma_start3A_382 = arith.constant 0 : i32
      %dma_start3A_383 = tpu.memref_slice %arg14[%add3A_345, %dma_start3A_382] : memref<256x128xf32, #tpu.memory_space<vmem>> -> memref<1x64xf32, #tpu.memory_space<vmem>>
      %dma_start3A_384 = tpu.memref_squeeze %dma_start3A_383 : memref<1x64xf32, #tpu.memory_space<vmem>> -> memref<64xf32, #tpu.memory_space<vmem>>
      %dma_start3A_385 = arith.constant 0 : i32
      %dma_start3A_386 = tpu.memref_slice %arg6[%squeeze3A_375, %dma_start3A_385] : memref<1000000x64xf32, #tpu.memory_space<hbm>> -> memref<1x64xf32, #tpu.memory_space<hbm>>
      %dma_start3A_387 = tpu.memref_squeeze %dma_start3A_386 : memref<1x64xf32, #tpu.memory_space<hbm>> -> memref<64xf32, #tpu.memory_space<hbm>>
      tpu.enqueue_dma source(%dma_start3A_387 : memref<64xf32, #tpu.memory_space<hbm>>) target(%dma_start3A_384 : memref<64xf32, #tpu.memory_space<vmem>>) target_semaphore(%arg17 : memref<!tpu.dma_semaphore, #tpu.memory_space<semaphore_mem>>)
      %mul3A_388 = arith.constant 8 : i32
      %mul3A_389 = arith.muli %scan3A_55, %mul3A_388 : i32
      %add3A_390 = arith.constant 3 : i32
      %add3A_391 = arith.addi %mul3A_389, %add3A_390 : i32
      %slice3A_392 = vector.extract_strided_slice %get3A_62 {offsets = [7], sizes = [1], strides = [1]} : vector<16xi32> to vector<1xi32>
      %squeeze3A_393 = vector.extract %slice3A_392[0] : i32 from vector<1xi32>
      %dma_start3A_394 = arith.constant 64 : i32
      %dma_start3A_395 = tpu.memref_slice %arg12[%add3A_391, %dma_start3A_394] : memref<256x128xf32, #tpu.memory_space<vmem>> -> memref<1x64xf32, #tpu.memory_space<vmem>>
      %dma_start3A_396 = tpu.memref_squeeze %dma_start3A_395 : memref<1x64xf32, #tpu.memory_space<vmem>> -> memref<64xf32, #tpu.memory_space<vmem>>
      %dma_start3A_397 = arith.constant 0 : i32
      %dma_start3A_398 = tpu.memref_slice %arg5[%squeeze3A_393, %dma_start3A_397] : memref<1000000x64xf32, #tpu.memory_space<hbm>> -> memref<1x64xf32, #tpu.memory_space<hbm>>
      %dma_start3A_399 = tpu.memref_squeeze %dma_start3A_398 : memref<1x64xf32, #tpu.memory_space<hbm>> -> memref<64xf32, #tpu.memory_space<hbm>>
      %dma_start3A_400 = arith.constant 64 : i32
      %dma_start3A_401 = tpu.memref_slice %arg12[%add3A_391, %dma_start3A_400] : memref<256x128xf32, #tpu.memory_space<vmem>> -> memref<1x64xf32, #tpu.memory_space<vmem>>
      %dma_start3A_402 = tpu.memref_squeeze %dma_start3A_401 : memref<1x64xf32, #tpu.memory_space<vmem>> -> memref<64xf32, #tpu.memory_space<vmem>>
      %dma_start3A_403 = arith.constant 0 : i32
      %dma_start3A_404 = tpu.memref_slice %arg5[%squeeze3A_393, %dma_start3A_403] : memref<1000000x64xf32, #tpu.memory_space<hbm>> -> memref<1x64xf32, #tpu.memory_space<hbm>>
      %dma_start3A_405 = tpu.memref_squeeze %dma_start3A_404 : memref<1x64xf32, #tpu.memory_space<hbm>> -> memref<64xf32, #tpu.memory_space<hbm>>
      tpu.enqueue_dma source(%dma_start3A_405 : memref<64xf32, #tpu.memory_space<hbm>>) target(%dma_start3A_402 : memref<64xf32, #tpu.memory_space<vmem>>) target_semaphore(%arg17 : memref<!tpu.dma_semaphore, #tpu.memory_space<semaphore_mem>>)
      %slice3A_406 = vector.extract_strided_slice %get3A_65 {offsets = [7], sizes = [1], strides = [1]} : vector<16xi32> to vector<1xi32>
      %squeeze3A_407 = vector.extract %slice3A_406[0] : i32 from vector<1xi32>
      %dma_start3A_408 = arith.constant 64 : i32
      %dma_start3A_409 = tpu.memref_slice %arg13[%add3A_391, %dma_start3A_408] : memref<256x128xf32, #tpu.memory_space<vmem>> -> memref<1x64xf32, #tpu.memory_space<vmem>>
      %dma_start3A_410 = tpu.memref_squeeze %dma_start3A_409 : memref<1x64xf32, #tpu.memory_space<vmem>> -> memref<64xf32, #tpu.memory_space<vmem>>
      %dma_start3A_411 = arith.constant 0 : i32
      %dma_start3A_412 = tpu.memref_slice %arg6[%squeeze3A_407, %dma_start3A_411] : memref<1000000x64xf32, #tpu.memory_space<hbm>> -> memref<1x64xf32, #tpu.memory_space<hbm>>
      %dma_start3A_413 = tpu.memref_squeeze %dma_start3A_412 : memref<1x64xf32, #tpu.memory_space<hbm>> -> memref<64xf32, #tpu.memory_space<hbm>>
      %dma_start3A_414 = arith.constant 64 : i32
      %dma_start3A_415 = tpu.memref_slice %arg13[%add3A_391, %dma_start3A_414] : memref<256x128xf32, #tpu.memory_space<vmem>> -> memref<1x64xf32, #tpu.memory_space<vmem>>
      %dma_start3A_416 = tpu.memref_squeeze %dma_start3A_415 : memref<1x64xf32, #tpu.memory_space<vmem>> -> memref<64xf32, #tpu.memory_space<vmem>>
      %dma_start3A_417 = arith.constant 0 : i32
      %dma_start3A_418 = tpu.memref_slice %arg6[%squeeze3A_407, %dma_start3A_417] : memref<1000000x64xf32, #tpu.memory_space<hbm>> -> memref<1x64xf32, #tpu.memory_space<hbm>>
      %dma_start3A_419 = tpu.memref_squeeze %dma_start3A_418 : memref<1x64xf32, #tpu.memory_space<hbm>> -> memref<64xf32, #tpu.memory_space<hbm>>
      tpu.enqueue_dma source(%dma_start3A_419 : memref<64xf32, #tpu.memory_space<hbm>>) target(%dma_start3A_416 : memref<64xf32, #tpu.memory_space<vmem>>) target_semaphore(%arg17 : memref<!tpu.dma_semaphore, #tpu.memory_space<semaphore_mem>>)
      %slice3A_420 = vector.extract_strided_slice %get3A_68 {offsets = [7], sizes = [1], strides = [1]} : vector<16xi32> to vector<1xi32>
      %squeeze3A_421 = vector.extract %slice3A_420[0] : i32 from vector<1xi32>
      %dma_start3A_422 = arith.constant 64 : i32
      %dma_start3A_423 = tpu.memref_slice %arg14[%add3A_391, %dma_start3A_422] : memref<256x128xf32, #tpu.memory_space<vmem>> -> memref<1x64xf32, #tpu.memory_space<vmem>>
      %dma_start3A_424 = tpu.memref_squeeze %dma_start3A_423 : memref<1x64xf32, #tpu.memory_space<vmem>> -> memref<64xf32, #tpu.memory_space<vmem>>
      %dma_start3A_425 = arith.constant 0 : i32
      %dma_start3A_426 = tpu.memref_slice %arg6[%squeeze3A_421, %dma_start3A_425] : memref<1000000x64xf32, #tpu.memory_space<hbm>> -> memref<1x64xf32, #tpu.memory_space<hbm>>
      %dma_start3A_427 = tpu.memref_squeeze %dma_start3A_426 : memref<1x64xf32, #tpu.memory_space<hbm>> -> memref<64xf32, #tpu.memory_space<hbm>>
      %dma_start3A_428 = arith.constant 64 : i32
      %dma_start3A_429 = tpu.memref_slice %arg14[%add3A_391, %dma_start3A_428] : memref<256x128xf32, #tpu.memory_space<vmem>> -> memref<1x64xf32, #tpu.memory_space<vmem>>
      %dma_start3A_430 = tpu.memref_squeeze %dma_start3A_429 : memref<1x64xf32, #tpu.memory_space<vmem>> -> memref<64xf32, #tpu.memory_space<vmem>>
      %dma_start3A_431 = arith.constant 0 : i32
      %dma_start3A_432 = tpu.memref_slice %arg6[%squeeze3A_421, %dma_start3A_431] : memref<1000000x64xf32, #tpu.memory_space<hbm>> -> memref<1x64xf32, #tpu.memory_space<hbm>>
      %dma_start3A_433 = tpu.memref_squeeze %dma_start3A_432 : memref<1x64xf32, #tpu.memory_space<hbm>> -> memref<64xf32, #tpu.memory_space<hbm>>
      tpu.enqueue_dma source(%dma_start3A_433 : memref<64xf32, #tpu.memory_space<hbm>>) target(%dma_start3A_430 : memref<64xf32, #tpu.memory_space<vmem>>) target_semaphore(%arg17 : memref<!tpu.dma_semaphore, #tpu.memory_space<semaphore_mem>>)
      %mul3A_434 = arith.constant 8 : i32
      %mul3A_435 = arith.muli %scan3A_55, %mul3A_434 : i32
      %add3A_436 = arith.constant 4 : i32
      %add3A_437 = arith.addi %mul3A_435, %add3A_436 : i32
      %slice3A_438 = vector.extract_strided_slice %get3A_62 {offsets = [8], sizes = [1], strides = [1]} : vector<16xi32> to vector<1xi32>
      %squeeze3A_439 = vector.extract %slice3A_438[0] : i32 from vector<1xi32>
      %dma_start3A_440 = arith.constant 0 : i32
      %dma_start3A_441 = tpu.memref_slice %arg12[%add3A_437, %dma_start3A_440] : memref<256x128xf32, #tpu.memory_space<vmem>> -> memref<1x64xf32, #tpu.memory_space<vmem>>
      %dma_start3A_442 = tpu.memref_squeeze %dma_start3A_441 : memref<1x64xf32, #tpu.memory_space<vmem>> -> memref<64xf32, #tpu.memory_space<vmem>>
      %dma_start3A_443 = arith.constant 0 : i32
      %dma_start3A_444 = tpu.memref_slice %arg5[%squeeze3A_439, %dma_start3A_443] : memref<1000000x64xf32, #tpu.memory_space<hbm>> -> memref<1x64xf32, #tpu.memory_space<hbm>>
      %dma_start3A_445 = tpu.memref_squeeze %dma_start3A_444 : memref<1x64xf32, #tpu.memory_space<hbm>> -> memref<64xf32, #tpu.memory_space<hbm>>
      %dma_start3A_446 = arith.constant 0 : i32
      %dma_start3A_447 = tpu.memref_slice %arg12[%add3A_437, %dma_start3A_446] : memref<256x128xf32, #tpu.memory_space<vmem>> -> memref<1x64xf32, #tpu.memory_space<vmem>>
      %dma_start3A_448 = tpu.memref_squeeze %dma_start3A_447 : memref<1x64xf32, #tpu.memory_space<vmem>> -> memref<64xf32, #tpu.memory_space<vmem>>
      %dma_start3A_449 = arith.constant 0 : i32
      %dma_start3A_450 = tpu.memref_slice %arg5[%squeeze3A_439, %dma_start3A_449] : memref<1000000x64xf32, #tpu.memory_space<hbm>> -> memref<1x64xf32, #tpu.memory_space<hbm>>
      %dma_start3A_451 = tpu.memref_squeeze %dma_start3A_450 : memref<1x64xf32, #tpu.memory_space<hbm>> -> memref<64xf32, #tpu.memory_space<hbm>>
      tpu.enqueue_dma source(%dma_start3A_451 : memref<64xf32, #tpu.memory_space<hbm>>) target(%dma_start3A_448 : memref<64xf32, #tpu.memory_space<vmem>>) target_semaphore(%arg17 : memref<!tpu.dma_semaphore, #tpu.memory_space<semaphore_mem>>)
      %slice3A_452 = vector.extract_strided_slice %get3A_65 {offsets = [8], sizes = [1], strides = [1]} : vector<16xi32> to vector<1xi32>
      %squeeze3A_453 = vector.extract %slice3A_452[0] : i32 from vector<1xi32>
      %dma_start3A_454 = arith.constant 0 : i32
      %dma_start3A_455 = tpu.memref_slice %arg13[%add3A_437, %dma_start3A_454] : memref<256x128xf32, #tpu.memory_space<vmem>> -> memref<1x64xf32, #tpu.memory_space<vmem>>
      %dma_start3A_456 = tpu.memref_squeeze %dma_start3A_455 : memref<1x64xf32, #tpu.memory_space<vmem>> -> memref<64xf32, #tpu.memory_space<vmem>>
      %dma_start3A_457 = arith.constant 0 : i32
      %dma_start3A_458 = tpu.memref_slice %arg6[%squeeze3A_453, %dma_start3A_457] : memref<1000000x64xf32, #tpu.memory_space<hbm>> -> memref<1x64xf32, #tpu.memory_space<hbm>>
      %dma_start3A_459 = tpu.memref_squeeze %dma_start3A_458 : memref<1x64xf32, #tpu.memory_space<hbm>> -> memref<64xf32, #tpu.memory_space<hbm>>
      %dma_start3A_460 = arith.constant 0 : i32
      %dma_start3A_461 = tpu.memref_slice %arg13[%add3A_437, %dma_start3A_460] : memref<256x128xf32, #tpu.memory_space<vmem>> -> memref<1x64xf32, #tpu.memory_space<vmem>>
      %dma_start3A_462 = tpu.memref_squeeze %dma_start3A_461 : memref<1x64xf32, #tpu.memory_space<vmem>> -> memref<64xf32, #tpu.memory_space<vmem>>
      %dma_start3A_463 = arith.constant 0 : i32
      %dma_start3A_464 = tpu.memref_slice %arg6[%squeeze3A_453, %dma_start3A_463] : memref<1000000x64xf32, #tpu.memory_space<hbm>> -> memref<1x64xf32, #tpu.memory_space<hbm>>
      %dma_start3A_465 = tpu.memref_squeeze %dma_start3A_464 : memref<1x64xf32, #tpu.memory_space<hbm>> -> memref<64xf32, #tpu.memory_space<hbm>>
      tpu.enqueue_dma source(%dma_start3A_465 : memref<64xf32, #tpu.memory_space<hbm>>) target(%dma_start3A_462 : memref<64xf32, #tpu.memory_space<vmem>>) target_semaphore(%arg17 : memref<!tpu.dma_semaphore, #tpu.memory_space<semaphore_mem>>)
      %slice3A_466 = vector.extract_strided_slice %get3A_68 {offsets = [8], sizes = [1], strides = [1]} : vector<16xi32> to vector<1xi32>
      %squeeze3A_467 = vector.extract %slice3A_466[0] : i32 from vector<1xi32>
      %dma_start3A_468 = arith.constant 0 : i32
      %dma_start3A_469 = tpu.memref_slice %arg14[%add3A_437, %dma_start3A_468] : memref<256x128xf32, #tpu.memory_space<vmem>> -> memref<1x64xf32, #tpu.memory_space<vmem>>
      %dma_start3A_470 = tpu.memref_squeeze %dma_start3A_469 : memref<1x64xf32, #tpu.memory_space<vmem>> -> memref<64xf32, #tpu.memory_space<vmem>>
      %dma_start3A_471 = arith.constant 0 : i32
      %dma_start3A_472 = tpu.memref_slice %arg6[%squeeze3A_467, %dma_start3A_471] : memref<1000000x64xf32, #tpu.memory_space<hbm>> -> memref<1x64xf32, #tpu.memory_space<hbm>>
      %dma_start3A_473 = tpu.memref_squeeze %dma_start3A_472 : memref<1x64xf32, #tpu.memory_space<hbm>> -> memref<64xf32, #tpu.memory_space<hbm>>
      %dma_start3A_474 = arith.constant 0 : i32
      %dma_start3A_475 = tpu.memref_slice %arg14[%add3A_437, %dma_start3A_474] : memref<256x128xf32, #tpu.memory_space<vmem>> -> memref<1x64xf32, #tpu.memory_space<vmem>>
      %dma_start3A_476 = tpu.memref_squeeze %dma_start3A_475 : memref<1x64xf32, #tpu.memory_space<vmem>> -> memref<64xf32, #tpu.memory_space<vmem>>
      %dma_start3A_477 = arith.constant 0 : i32
      %dma_start3A_478 = tpu.memref_slice %arg6[%squeeze3A_467, %dma_start3A_477] : memref<1000000x64xf32, #tpu.memory_space<hbm>> -> memref<1x64xf32, #tpu.memory_space<hbm>>
      %dma_start3A_479 = tpu.memref_squeeze %dma_start3A_478 : memref<1x64xf32, #tpu.memory_space<hbm>> -> memref<64xf32, #tpu.memory_space<hbm>>
      tpu.enqueue_dma source(%dma_start3A_479 : memref<64xf32, #tpu.memory_space<hbm>>) target(%dma_start3A_476 : memref<64xf32, #tpu.memory_space<vmem>>) target_semaphore(%arg17 : memref<!tpu.dma_semaphore, #tpu.memory_space<semaphore_mem>>)
      %mul3A_480 = arith.constant 8 : i32
      %mul3A_481 = arith.muli %scan3A_55, %mul3A_480 : i32
      %add3A_482 = arith.constant 4 : i32
      %add3A_483 = arith.addi %mul3A_481, %add3A_482 : i32
      %slice3A_484 = vector.extract_strided_slice %get3A_62 {offsets = [9], sizes = [1], strides = [1]} : vector<16xi32> to vector<1xi32>
      %squeeze3A_485 = vector.extract %slice3A_484[0] : i32 from vector<1xi32>
      %dma_start3A_486 = arith.constant 64 : i32
      %dma_start3A_487 = tpu.memref_slice %arg12[%add3A_483, %dma_start3A_486] : memref<256x128xf32, #tpu.memory_space<vmem>> -> memref<1x64xf32, #tpu.memory_space<vmem>>
      %dma_start3A_488 = tpu.memref_squeeze %dma_start3A_487 : memref<1x64xf32, #tpu.memory_space<vmem>> -> memref<64xf32, #tpu.memory_space<vmem>>
      %dma_start3A_489 = arith.constant 0 : i32
      %dma_start3A_490 = tpu.memref_slice %arg5[%squeeze3A_485, %dma_start3A_489] : memref<1000000x64xf32, #tpu.memory_space<hbm>> -> memref<1x64xf32, #tpu.memory_space<hbm>>
      %dma_start3A_491 = tpu.memref_squeeze %dma_start3A_490 : memref<1x64xf32, #tpu.memory_space<hbm>> -> memref<64xf32, #tpu.memory_space<hbm>>
      %dma_start3A_492 = arith.constant 64 : i32
      %dma_start3A_493 = tpu.memref_slice %arg12[%add3A_483, %dma_start3A_492] : memref<256x128xf32, #tpu.memory_space<vmem>> -> memref<1x64xf32, #tpu.memory_space<vmem>>
      %dma_start3A_494 = tpu.memref_squeeze %dma_start3A_493 : memref<1x64xf32, #tpu.memory_space<vmem>> -> memref<64xf32, #tpu.memory_space<vmem>>
      %dma_start3A_495 = arith.constant 0 : i32
      %dma_start3A_496 = tpu.memref_slice %arg5[%squeeze3A_485, %dma_start3A_495] : memref<1000000x64xf32, #tpu.memory_space<hbm>> -> memref<1x64xf32, #tpu.memory_space<hbm>>
      %dma_start3A_497 = tpu.memref_squeeze %dma_start3A_496 : memref<1x64xf32, #tpu.memory_space<hbm>> -> memref<64xf32, #tpu.memory_space<hbm>>
      tpu.enqueue_dma source(%dma_start3A_497 : memref<64xf32, #tpu.memory_space<hbm>>) target(%dma_start3A_494 : memref<64xf32, #tpu.memory_space<vmem>>) target_semaphore(%arg17 : memref<!tpu.dma_semaphore, #tpu.memory_space<semaphore_mem>>)
      %slice3A_498 = vector.extract_strided_slice %get3A_65 {offsets = [9], sizes = [1], strides = [1]} : vector<16xi32> to vector<1xi32>
      %squeeze3A_499 = vector.extract %slice3A_498[0] : i32 from vector<1xi32>
      %dma_start3A_500 = arith.constant 64 : i32
      %dma_start3A_501 = tpu.memref_slice %arg13[%add3A_483, %dma_start3A_500] : memref<256x128xf32, #tpu.memory_space<vmem>> -> memref<1x64xf32, #tpu.memory_space<vmem>>
      %dma_start3A_502 = tpu.memref_squeeze %dma_start3A_501 : memref<1x64xf32, #tpu.memory_space<vmem>> -> memref<64xf32, #tpu.memory_space<vmem>>
      %dma_start3A_503 = arith.constant 0 : i32
      %dma_start3A_504 = tpu.memref_slice %arg6[%squeeze3A_499, %dma_start3A_503] : memref<1000000x64xf32, #tpu.memory_space<hbm>> -> memref<1x64xf32, #tpu.memory_space<hbm>>
      %dma_start3A_505 = tpu.memref_squeeze %dma_start3A_504 : memref<1x64xf32, #tpu.memory_space<hbm>> -> memref<64xf32, #tpu.memory_space<hbm>>
      %dma_start3A_506 = arith.constant 64 : i32
      %dma_start3A_507 = tpu.memref_slice %arg13[%add3A_483, %dma_start3A_506] : memref<256x128xf32, #tpu.memory_space<vmem>> -> memref<1x64xf32, #tpu.memory_space<vmem>>
      %dma_start3A_508 = tpu.memref_squeeze %dma_start3A_507 : memref<1x64xf32, #tpu.memory_space<vmem>> -> memref<64xf32, #tpu.memory_space<vmem>>
      %dma_start3A_509 = arith.constant 0 : i32
      %dma_start3A_510 = tpu.memref_slice %arg6[%squeeze3A_499, %dma_start3A_509] : memref<1000000x64xf32, #tpu.memory_space<hbm>> -> memref<1x64xf32, #tpu.memory_space<hbm>>
      %dma_start3A_511 = tpu.memref_squeeze %dma_start3A_510 : memref<1x64xf32, #tpu.memory_space<hbm>> -> memref<64xf32, #tpu.memory_space<hbm>>
      tpu.enqueue_dma source(%dma_start3A_511 : memref<64xf32, #tpu.memory_space<hbm>>) target(%dma_start3A_508 : memref<64xf32, #tpu.memory_space<vmem>>) target_semaphore(%arg17 : memref<!tpu.dma_semaphore, #tpu.memory_space<semaphore_mem>>)
      %slice3A_512 = vector.extract_strided_slice %get3A_68 {offsets = [9], sizes = [1], strides = [1]} : vector<16xi32> to vector<1xi32>
      %squeeze3A_513 = vector.extract %slice3A_512[0] : i32 from vector<1xi32>
      %dma_start3A_514 = arith.constant 64 : i32
      %dma_start3A_515 = tpu.memref_slice %arg14[%add3A_483, %dma_start3A_514] : memref<256x128xf32, #tpu.memory_space<vmem>> -> memref<1x64xf32, #tpu.memory_space<vmem>>
      %dma_start3A_516 = tpu.memref_squeeze %dma_start3A_515 : memref<1x64xf32, #tpu.memory_space<vmem>> -> memref<64xf32, #tpu.memory_space<vmem>>
      %dma_start3A_517 = arith.constant 0 : i32
      %dma_start3A_518 = tpu.memref_slice %arg6[%squeeze3A_513, %dma_start3A_517] : memref<1000000x64xf32, #tpu.memory_space<hbm>> -> memref<1x64xf32, #tpu.memory_space<hbm>>
      %dma_start3A_519 = tpu.memref_squeeze %dma_start3A_518 : memref<1x64xf32, #tpu.memory_space<hbm>> -> memref<64xf32, #tpu.memory_space<hbm>>
      %dma_start3A_520 = arith.constant 64 : i32
      %dma_start3A_521 = tpu.memref_slice %arg14[%add3A_483, %dma_start3A_520] : memref<256x128xf32, #tpu.memory_space<vmem>> -> memref<1x64xf32, #tpu.memory_space<vmem>>
      %dma_start3A_522 = tpu.memref_squeeze %dma_start3A_521 : memref<1x64xf32, #tpu.memory_space<vmem>> -> memref<64xf32, #tpu.memory_space<vmem>>
      %dma_start3A_523 = arith.constant 0 : i32
      %dma_start3A_524 = tpu.memref_slice %arg6[%squeeze3A_513, %dma_start3A_523] : memref<1000000x64xf32, #tpu.memory_space<hbm>> -> memref<1x64xf32, #tpu.memory_space<hbm>>
      %dma_start3A_525 = tpu.memref_squeeze %dma_start3A_524 : memref<1x64xf32, #tpu.memory_space<hbm>> -> memref<64xf32, #tpu.memory_space<hbm>>
      tpu.enqueue_dma source(%dma_start3A_525 : memref<64xf32, #tpu.memory_space<hbm>>) target(%dma_start3A_522 : memref<64xf32, #tpu.memory_space<vmem>>) target_semaphore(%arg17 : memref<!tpu.dma_semaphore, #tpu.memory_space<semaphore_mem>>)
      %mul3A_526 = arith.constant 8 : i32
      %mul3A_527 = arith.muli %scan3A_55, %mul3A_526 : i32
      %add3A_528 = arith.constant 5 : i32
      %add3A_529 = arith.addi %mul3A_527, %add3A_528 : i32
      %slice3A_530 = vector.extract_strided_slice %get3A_62 {offsets = [10], sizes = [1], strides = [1]} : vector<16xi32> to vector<1xi32>
      %squeeze3A_531 = vector.extract %slice3A_530[0] : i32 from vector<1xi32>
      %dma_start3A_532 = arith.constant 0 : i32
      %dma_start3A_533 = tpu.memref_slice %arg12[%add3A_529, %dma_start3A_532] : memref<256x128xf32, #tpu.memory_space<vmem>> -> memref<1x64xf32, #tpu.memory_space<vmem>>
      %dma_start3A_534 = tpu.memref_squeeze %dma_start3A_533 : memref<1x64xf32, #tpu.memory_space<vmem>> -> memref<64xf32, #tpu.memory_space<vmem>>
      %dma_start3A_535 = arith.constant 0 : i32
      %dma_start3A_536 = tpu.memref_slice %arg5[%squeeze3A_531, %dma_start3A_535] : memref<1000000x64xf32, #tpu.memory_space<hbm>> -> memref<1x64xf32, #tpu.memory_space<hbm>>
      %dma_start3A_537 = tpu.memref_squeeze %dma_start3A_536 : memref<1x64xf32, #tpu.memory_space<hbm>> -> memref<64xf32, #tpu.memory_space<hbm>>
      %dma_start3A_538 = arith.constant 0 : i32
      %dma_start3A_539 = tpu.memref_slice %arg12[%add3A_529, %dma_start3A_538] : memref<256x128xf32, #tpu.memory_space<vmem>> -> memref<1x64xf32, #tpu.memory_space<vmem>>
      %dma_start3A_540 = tpu.memref_squeeze %dma_start3A_539 : memref<1x64xf32, #tpu.memory_space<vmem>> -> memref<64xf32, #tpu.memory_space<vmem>>
      %dma_start3A_541 = arith.constant 0 : i32
      %dma_start3A_542 = tpu.memref_slice %arg5[%squeeze3A_531, %dma_start3A_541] : memref<1000000x64xf32, #tpu.memory_space<hbm>> -> memref<1x64xf32, #tpu.memory_space<hbm>>
      %dma_start3A_543 = tpu.memref_squeeze %dma_start3A_542 : memref<1x64xf32, #tpu.memory_space<hbm>> -> memref<64xf32, #tpu.memory_space<hbm>>
      tpu.enqueue_dma source(%dma_start3A_543 : memref<64xf32, #tpu.memory_space<hbm>>) target(%dma_start3A_540 : memref<64xf32, #tpu.memory_space<vmem>>) target_semaphore(%arg17 : memref<!tpu.dma_semaphore, #tpu.memory_space<semaphore_mem>>)
      %slice3A_544 = vector.extract_strided_slice %get3A_65 {offsets = [10], sizes = [1], strides = [1]} : vector<16xi32> to vector<1xi32>
      %squeeze3A_545 = vector.extract %slice3A_544[0] : i32 from vector<1xi32>
      %dma_start3A_546 = arith.constant 0 : i32
      %dma_start3A_547 = tpu.memref_slice %arg13[%add3A_529, %dma_start3A_546] : memref<256x128xf32, #tpu.memory_space<vmem>> -> memref<1x64xf32, #tpu.memory_space<vmem>>
      %dma_start3A_548 = tpu.memref_squeeze %dma_start3A_547 : memref<1x64xf32, #tpu.memory_space<vmem>> -> memref<64xf32, #tpu.memory_space<vmem>>
      %dma_start3A_549 = arith.constant 0 : i32
      %dma_start3A_550 = tpu.memref_slice %arg6[%squeeze3A_545, %dma_start3A_549] : memref<1000000x64xf32, #tpu.memory_space<hbm>> -> memref<1x64xf32, #tpu.memory_space<hbm>>
      %dma_start3A_551 = tpu.memref_squeeze %dma_start3A_550 : memref<1x64xf32, #tpu.memory_space<hbm>> -> memref<64xf32, #tpu.memory_space<hbm>>
      %dma_start3A_552 = arith.constant 0 : i32
      %dma_start3A_553 = tpu.memref_slice %arg13[%add3A_529, %dma_start3A_552] : memref<256x128xf32, #tpu.memory_space<vmem>> -> memref<1x64xf32, #tpu.memory_space<vmem>>
      %dma_start3A_554 = tpu.memref_squeeze %dma_start3A_553 : memref<1x64xf32, #tpu.memory_space<vmem>> -> memref<64xf32, #tpu.memory_space<vmem>>
      %dma_start3A_555 = arith.constant 0 : i32
      %dma_start3A_556 = tpu.memref_slice %arg6[%squeeze3A_545, %dma_start3A_555] : memref<1000000x64xf32, #tpu.memory_space<hbm>> -> memref<1x64xf32, #tpu.memory_space<hbm>>
      %dma_start3A_557 = tpu.memref_squeeze %dma_start3A_556 : memref<1x64xf32, #tpu.memory_space<hbm>> -> memref<64xf32, #tpu.memory_space<hbm>>
      tpu.enqueue_dma source(%dma_start3A_557 : memref<64xf32, #tpu.memory_space<hbm>>) target(%dma_start3A_554 : memref<64xf32, #tpu.memory_space<vmem>>) target_semaphore(%arg17 : memref<!tpu.dma_semaphore, #tpu.memory_space<semaphore_mem>>)
      %slice3A_558 = vector.extract_strided_slice %get3A_68 {offsets = [10], sizes = [1], strides = [1]} : vector<16xi32> to vector<1xi32>
      %squeeze3A_559 = vector.extract %slice3A_558[0] : i32 from vector<1xi32>
      %dma_start3A_560 = arith.constant 0 : i32
      %dma_start3A_561 = tpu.memref_slice %arg14[%add3A_529, %dma_start3A_560] : memref<256x128xf32, #tpu.memory_space<vmem>> -> memref<1x64xf32, #tpu.memory_space<vmem>>
      %dma_start3A_562 = tpu.memref_squeeze %dma_start3A_561 : memref<1x64xf32, #tpu.memory_space<vmem>> -> memref<64xf32, #tpu.memory_space<vmem>>
      %dma_start3A_563 = arith.constant 0 : i32
      %dma_start3A_564 = tpu.memref_slice %arg6[%squeeze3A_559, %dma_start3A_563] : memref<1000000x64xf32, #tpu.memory_space<hbm>> -> memref<1x64xf32, #tpu.memory_space<hbm>>
      %dma_start3A_565 = tpu.memref_squeeze %dma_start3A_564 : memref<1x64xf32, #tpu.memory_space<hbm>> -> memref<64xf32, #tpu.memory_space<hbm>>
      %dma_start3A_566 = arith.constant 0 : i32
      %dma_start3A_567 = tpu.memref_slice %arg14[%add3A_529, %dma_start3A_566] : memref<256x128xf32, #tpu.memory_space<vmem>> -> memref<1x64xf32, #tpu.memory_space<vmem>>
      %dma_start3A_568 = tpu.memref_squeeze %dma_start3A_567 : memref<1x64xf32, #tpu.memory_space<vmem>> -> memref<64xf32, #tpu.memory_space<vmem>>
      %dma_start3A_569 = arith.constant 0 : i32
      %dma_start3A_570 = tpu.memref_slice %arg6[%squeeze3A_559, %dma_start3A_569] : memref<1000000x64xf32, #tpu.memory_space<hbm>> -> memref<1x64xf32, #tpu.memory_space<hbm>>
      %dma_start3A_571 = tpu.memref_squeeze %dma_start3A_570 : memref<1x64xf32, #tpu.memory_space<hbm>> -> memref<64xf32, #tpu.memory_space<hbm>>
      tpu.enqueue_dma source(%dma_start3A_571 : memref<64xf32, #tpu.memory_space<hbm>>) target(%dma_start3A_568 : memref<64xf32, #tpu.memory_space<vmem>>) target_semaphore(%arg17 : memref<!tpu.dma_semaphore, #tpu.memory_space<semaphore_mem>>)
      %mul3A_572 = arith.constant 8 : i32
      %mul3A_573 = arith.muli %scan3A_55, %mul3A_572 : i32
      %add3A_574 = arith.constant 5 : i32
      %add3A_575 = arith.addi %mul3A_573, %add3A_574 : i32
      %slice3A_576 = vector.extract_strided_slice %get3A_62 {offsets = [11], sizes = [1], strides = [1]} : vector<16xi32> to vector<1xi32>
      %squeeze3A_577 = vector.extract %slice3A_576[0] : i32 from vector<1xi32>
      %dma_start3A_578 = arith.constant 64 : i32
      %dma_start3A_579 = tpu.memref_slice %arg12[%add3A_575, %dma_start3A_578] : memref<256x128xf32, #tpu.memory_space<vmem>> -> memref<1x64xf32, #tpu.memory_space<vmem>>
      %dma_start3A_580 = tpu.memref_squeeze %dma_start3A_579 : memref<1x64xf32, #tpu.memory_space<vmem>> -> memref<64xf32, #tpu.memory_space<vmem>>
      %dma_start3A_581 = arith.constant 0 : i32
      %dma_start3A_582 = tpu.memref_slice %arg5[%squeeze3A_577, %dma_start3A_581] : memref<1000000x64xf32, #tpu.memory_space<hbm>> -> memref<1x64xf32, #tpu.memory_space<hbm>>
      %dma_start3A_583 = tpu.memref_squeeze %dma_start3A_582 : memref<1x64xf32, #tpu.memory_space<hbm>> -> memref<64xf32, #tpu.memory_space<hbm>>
      %dma_start3A_584 = arith.constant 64 : i32
      %dma_start3A_585 = tpu.memref_slice %arg12[%add3A_575, %dma_start3A_584] : memref<256x128xf32, #tpu.memory_space<vmem>> -> memref<1x64xf32, #tpu.memory_space<vmem>>
      %dma_start3A_586 = tpu.memref_squeeze %dma_start3A_585 : memref<1x64xf32, #tpu.memory_space<vmem>> -> memref<64xf32, #tpu.memory_space<vmem>>
      %dma_start3A_587 = arith.constant 0 : i32
      %dma_start3A_588 = tpu.memref_slice %arg5[%squeeze3A_577, %dma_start3A_587] : memref<1000000x64xf32, #tpu.memory_space<hbm>> -> memref<1x64xf32, #tpu.memory_space<hbm>>
      %dma_start3A_589 = tpu.memref_squeeze %dma_start3A_588 : memref<1x64xf32, #tpu.memory_space<hbm>> -> memref<64xf32, #tpu.memory_space<hbm>>
      tpu.enqueue_dma source(%dma_start3A_589 : memref<64xf32, #tpu.memory_space<hbm>>) target(%dma_start3A_586 : memref<64xf32, #tpu.memory_space<vmem>>) target_semaphore(%arg17 : memref<!tpu.dma_semaphore, #tpu.memory_space<semaphore_mem>>)
      %slice3A_590 = vector.extract_strided_slice %get3A_65 {offsets = [11], sizes = [1], strides = [1]} : vector<16xi32> to vector<1xi32>
      %squeeze3A_591 = vector.extract %slice3A_590[0] : i32 from vector<1xi32>
      %dma_start3A_592 = arith.constant 64 : i32
      %dma_start3A_593 = tpu.memref_slice %arg13[%add3A_575, %dma_start3A_592] : memref<256x128xf32, #tpu.memory_space<vmem>> -> memref<1x64xf32, #tpu.memory_space<vmem>>
      %dma_start3A_594 = tpu.memref_squeeze %dma_start3A_593 : memref<1x64xf32, #tpu.memory_space<vmem>> -> memref<64xf32, #tpu.memory_space<vmem>>
      %dma_start3A_595 = arith.constant 0 : i32
      %dma_start3A_596 = tpu.memref_slice %arg6[%squeeze3A_591, %dma_start3A_595] : memref<1000000x64xf32, #tpu.memory_space<hbm>> -> memref<1x64xf32, #tpu.memory_space<hbm>>
      %dma_start3A_597 = tpu.memref_squeeze %dma_start3A_596 : memref<1x64xf32, #tpu.memory_space<hbm>> -> memref<64xf32, #tpu.memory_space<hbm>>
      %dma_start3A_598 = arith.constant 64 : i32
      %dma_start3A_599 = tpu.memref_slice %arg13[%add3A_575, %dma_start3A_598] : memref<256x128xf32, #tpu.memory_space<vmem>> -> memref<1x64xf32, #tpu.memory_space<vmem>>
      %dma_start3A_600 = tpu.memref_squeeze %dma_start3A_599 : memref<1x64xf32, #tpu.memory_space<vmem>> -> memref<64xf32, #tpu.memory_space<vmem>>
      %dma_start3A_601 = arith.constant 0 : i32
      %dma_start3A_602 = tpu.memref_slice %arg6[%squeeze3A_591, %dma_start3A_601] : memref<1000000x64xf32, #tpu.memory_space<hbm>> -> memref<1x64xf32, #tpu.memory_space<hbm>>
      %dma_start3A_603 = tpu.memref_squeeze %dma_start3A_602 : memref<1x64xf32, #tpu.memory_space<hbm>> -> memref<64xf32, #tpu.memory_space<hbm>>
      tpu.enqueue_dma source(%dma_start3A_603 : memref<64xf32, #tpu.memory_space<hbm>>) target(%dma_start3A_600 : memref<64xf32, #tpu.memory_space<vmem>>) target_semaphore(%arg17 : memref<!tpu.dma_semaphore, #tpu.memory_space<semaphore_mem>>)
      %slice3A_604 = vector.extract_strided_slice %get3A_68 {offsets = [11], sizes = [1], strides = [1]} : vector<16xi32> to vector<1xi32>
      %squeeze3A_605 = vector.extract %slice3A_604[0] : i32 from vector<1xi32>
      %dma_start3A_606 = arith.constant 64 : i32
      %dma_start3A_607 = tpu.memref_slice %arg14[%add3A_575, %dma_start3A_606] : memref<256x128xf32, #tpu.memory_space<vmem>> -> memref<1x64xf32, #tpu.memory_space<vmem>>
      %dma_start3A_608 = tpu.memref_squeeze %dma_start3A_607 : memref<1x64xf32, #tpu.memory_space<vmem>> -> memref<64xf32, #tpu.memory_space<vmem>>
      %dma_start3A_609 = arith.constant 0 : i32
      %dma_start3A_610 = tpu.memref_slice %arg6[%squeeze3A_605, %dma_start3A_609] : memref<1000000x64xf32, #tpu.memory_space<hbm>> -> memref<1x64xf32, #tpu.memory_space<hbm>>
      %dma_start3A_611 = tpu.memref_squeeze %dma_start3A_610 : memref<1x64xf32, #tpu.memory_space<hbm>> -> memref<64xf32, #tpu.memory_space<hbm>>
      %dma_start3A_612 = arith.constant 64 : i32
      %dma_start3A_613 = tpu.memref_slice %arg14[%add3A_575, %dma_start3A_612] : memref<256x128xf32, #tpu.memory_space<vmem>> -> memref<1x64xf32, #tpu.memory_space<vmem>>
      %dma_start3A_614 = tpu.memref_squeeze %dma_start3A_613 : memref<1x64xf32, #tpu.memory_space<vmem>> -> memref<64xf32, #tpu.memory_space<vmem>>
      %dma_start3A_615 = arith.constant 0 : i32
      %dma_start3A_616 = tpu.memref_slice %arg6[%squeeze3A_605, %dma_start3A_615] : memref<1000000x64xf32, #tpu.memory_space<hbm>> -> memref<1x64xf32, #tpu.memory_space<hbm>>
      %dma_start3A_617 = tpu.memref_squeeze %dma_start3A_616 : memref<1x64xf32, #tpu.memory_space<hbm>> -> memref<64xf32, #tpu.memory_space<hbm>>
      tpu.enqueue_dma source(%dma_start3A_617 : memref<64xf32, #tpu.memory_space<hbm>>) target(%dma_start3A_614 : memref<64xf32, #tpu.memory_space<vmem>>) target_semaphore(%arg17 : memref<!tpu.dma_semaphore, #tpu.memory_space<semaphore_mem>>)
      %mul3A_618 = arith.constant 8 : i32
      %mul3A_619 = arith.muli %scan3A_55, %mul3A_618 : i32
      %add3A_620 = arith.constant 6 : i32
      %add3A_621 = arith.addi %mul3A_619, %add3A_620 : i32
      %slice3A_622 = vector.extract_strided_slice %get3A_62 {offsets = [12], sizes = [1], strides = [1]} : vector<16xi32> to vector<1xi32>
      %squeeze3A_623 = vector.extract %slice3A_622[0] : i32 from vector<1xi32>
      %dma_start3A_624 = arith.constant 0 : i32
      %dma_start3A_625 = tpu.memref_slice %arg12[%add3A_621, %dma_start3A_624] : memref<256x128xf32, #tpu.memory_space<vmem>> -> memref<1x64xf32, #tpu.memory_space<vmem>>
      %dma_start3A_626 = tpu.memref_squeeze %dma_start3A_625 : memref<1x64xf32, #tpu.memory_space<vmem>> -> memref<64xf32, #tpu.memory_space<vmem>>
      %dma_start3A_627 = arith.constant 0 : i32
      %dma_start3A_628 = tpu.memref_slice %arg5[%squeeze3A_623, %dma_start3A_627] : memref<1000000x64xf32, #tpu.memory_space<hbm>> -> memref<1x64xf32, #tpu.memory_space<hbm>>
      %dma_start3A_629 = tpu.memref_squeeze %dma_start3A_628 : memref<1x64xf32, #tpu.memory_space<hbm>> -> memref<64xf32, #tpu.memory_space<hbm>>
      %dma_start3A_630 = arith.constant 0 : i32
      %dma_start3A_631 = tpu.memref_slice %arg12[%add3A_621, %dma_start3A_630] : memref<256x128xf32, #tpu.memory_space<vmem>> -> memref<1x64xf32, #tpu.memory_space<vmem>>
      %dma_start3A_632 = tpu.memref_squeeze %dma_start3A_631 : memref<1x64xf32, #tpu.memory_space<vmem>> -> memref<64xf32, #tpu.memory_space<vmem>>
      %dma_start3A_633 = arith.constant 0 : i32
      %dma_start3A_634 = tpu.memref_slice %arg5[%squeeze3A_623, %dma_start3A_633] : memref<1000000x64xf32, #tpu.memory_space<hbm>> -> memref<1x64xf32, #tpu.memory_space<hbm>>
      %dma_start3A_635 = tpu.memref_squeeze %dma_start3A_634 : memref<1x64xf32, #tpu.memory_space<hbm>> -> memref<64xf32, #tpu.memory_space<hbm>>
      tpu.enqueue_dma source(%dma_start3A_635 : memref<64xf32, #tpu.memory_space<hbm>>) target(%dma_start3A_632 : memref<64xf32, #tpu.memory_space<vmem>>) target_semaphore(%arg17 : memref<!tpu.dma_semaphore, #tpu.memory_space<semaphore_mem>>)
      %slice3A_636 = vector.extract_strided_slice %get3A_65 {offsets = [12], sizes = [1], strides = [1]} : vector<16xi32> to vector<1xi32>
      %squeeze3A_637 = vector.extract %slice3A_636[0] : i32 from vector<1xi32>
      %dma_start3A_638 = arith.constant 0 : i32
      %dma_start3A_639 = tpu.memref_slice %arg13[%add3A_621, %dma_start3A_638] : memref<256x128xf32, #tpu.memory_space<vmem>> -> memref<1x64xf32, #tpu.memory_space<vmem>>
      %dma_start3A_640 = tpu.memref_squeeze %dma_start3A_639 : memref<1x64xf32, #tpu.memory_space<vmem>> -> memref<64xf32, #tpu.memory_space<vmem>>
      %dma_start3A_641 = arith.constant 0 : i32
      %dma_start3A_642 = tpu.memref_slice %arg6[%squeeze3A_637, %dma_start3A_641] : memref<1000000x64xf32, #tpu.memory_space<hbm>> -> memref<1x64xf32, #tpu.memory_space<hbm>>
      %dma_start3A_643 = tpu.memref_squeeze %dma_start3A_642 : memref<1x64xf32, #tpu.memory_space<hbm>> -> memref<64xf32, #tpu.memory_space<hbm>>
      %dma_start3A_644 = arith.constant 0 : i32
      %dma_start3A_645 = tpu.memref_slice %arg13[%add3A_621, %dma_start3A_644] : memref<256x128xf32, #tpu.memory_space<vmem>> -> memref<1x64xf32, #tpu.memory_space<vmem>>
      %dma_start3A_646 = tpu.memref_squeeze %dma_start3A_645 : memref<1x64xf32, #tpu.memory_space<vmem>> -> memref<64xf32, #tpu.memory_space<vmem>>
      %dma_start3A_647 = arith.constant 0 : i32
      %dma_start3A_648 = tpu.memref_slice %arg6[%squeeze3A_637, %dma_start3A_647] : memref<1000000x64xf32, #tpu.memory_space<hbm>> -> memref<1x64xf32, #tpu.memory_space<hbm>>
      %dma_start3A_649 = tpu.memref_squeeze %dma_start3A_648 : memref<1x64xf32, #tpu.memory_space<hbm>> -> memref<64xf32, #tpu.memory_space<hbm>>
      tpu.enqueue_dma source(%dma_start3A_649 : memref<64xf32, #tpu.memory_space<hbm>>) target(%dma_start3A_646 : memref<64xf32, #tpu.memory_space<vmem>>) target_semaphore(%arg17 : memref<!tpu.dma_semaphore, #tpu.memory_space<semaphore_mem>>)
      %slice3A_650 = vector.extract_strided_slice %get3A_68 {offsets = [12], sizes = [1], strides = [1]} : vector<16xi32> to vector<1xi32>
      %squeeze3A_651 = vector.extract %slice3A_650[0] : i32 from vector<1xi32>
      %dma_start3A_652 = arith.constant 0 : i32
      %dma_start3A_653 = tpu.memref_slice %arg14[%add3A_621, %dma_start3A_652] : memref<256x128xf32, #tpu.memory_space<vmem>> -> memref<1x64xf32, #tpu.memory_space<vmem>>
      %dma_start3A_654 = tpu.memref_squeeze %dma_start3A_653 : memref<1x64xf32, #tpu.memory_space<vmem>> -> memref<64xf32, #tpu.memory_space<vmem>>
      %dma_start3A_655 = arith.constant 0 : i32
      %dma_start3A_656 = tpu.memref_slice %arg6[%squeeze3A_651, %dma_start3A_655] : memref<1000000x64xf32, #tpu.memory_space<hbm>> -> memref<1x64xf32, #tpu.memory_space<hbm>>
      %dma_start3A_657 = tpu.memref_squeeze %dma_start3A_656 : memref<1x64xf32, #tpu.memory_space<hbm>> -> memref<64xf32, #tpu.memory_space<hbm>>
      %dma_start3A_658 = arith.constant 0 : i32
      %dma_start3A_659 = tpu.memref_slice %arg14[%add3A_621, %dma_start3A_658] : memref<256x128xf32, #tpu.memory_space<vmem>> -> memref<1x64xf32, #tpu.memory_space<vmem>>
      %dma_start3A_660 = tpu.memref_squeeze %dma_start3A_659 : memref<1x64xf32, #tpu.memory_space<vmem>> -> memref<64xf32, #tpu.memory_space<vmem>>
      %dma_start3A_661 = arith.constant 0 : i32
      %dma_start3A_662 = tpu.memref_slice %arg6[%squeeze3A_651, %dma_start3A_661] : memref<1000000x64xf32, #tpu.memory_space<hbm>> -> memref<1x64xf32, #tpu.memory_space<hbm>>
      %dma_start3A_663 = tpu.memref_squeeze %dma_start3A_662 : memref<1x64xf32, #tpu.memory_space<hbm>> -> memref<64xf32, #tpu.memory_space<hbm>>
      tpu.enqueue_dma source(%dma_start3A_663 : memref<64xf32, #tpu.memory_space<hbm>>) target(%dma_start3A_660 : memref<64xf32, #tpu.memory_space<vmem>>) target_semaphore(%arg17 : memref<!tpu.dma_semaphore, #tpu.memory_space<semaphore_mem>>)
      %mul3A_664 = arith.constant 8 : i32
      %mul3A_665 = arith.muli %scan3A_55, %mul3A_664 : i32
      %add3A_666 = arith.constant 6 : i32
      %add3A_667 = arith.addi %mul3A_665, %add3A_666 : i32
      %slice3A_668 = vector.extract_strided_slice %get3A_62 {offsets = [13], sizes = [1], strides = [1]} : vector<16xi32> to vector<1xi32>
      %squeeze3A_669 = vector.extract %slice3A_668[0] : i32 from vector<1xi32>
      %dma_start3A_670 = arith.constant 64 : i32
      %dma_start3A_671 = tpu.memref_slice %arg12[%add3A_667, %dma_start3A_670] : memref<256x128xf32, #tpu.memory_space<vmem>> -> memref<1x64xf32, #tpu.memory_space<vmem>>
      %dma_start3A_672 = tpu.memref_squeeze %dma_start3A_671 : memref<1x64xf32, #tpu.memory_space<vmem>> -> memref<64xf32, #tpu.memory_space<vmem>>
      %dma_start3A_673 = arith.constant 0 : i32
      %dma_start3A_674 = tpu.memref_slice %arg5[%squeeze3A_669, %dma_start3A_673] : memref<1000000x64xf32, #tpu.memory_space<hbm>> -> memref<1x64xf32, #tpu.memory_space<hbm>>
      %dma_start3A_675 = tpu.memref_squeeze %dma_start3A_674 : memref<1x64xf32, #tpu.memory_space<hbm>> -> memref<64xf32, #tpu.memory_space<hbm>>
      %dma_start3A_676 = arith.constant 64 : i32
      %dma_start3A_677 = tpu.memref_slice %arg12[%add3A_667, %dma_start3A_676] : memref<256x128xf32, #tpu.memory_space<vmem>> -> memref<1x64xf32, #tpu.memory_space<vmem>>
      %dma_start3A_678 = tpu.memref_squeeze %dma_start3A_677 : memref<1x64xf32, #tpu.memory_space<vmem>> -> memref<64xf32, #tpu.memory_space<vmem>>
      %dma_start3A_679 = arith.constant 0 : i32
      %dma_start3A_680 = tpu.memref_slice %arg5[%squeeze3A_669, %dma_start3A_679] : memref<1000000x64xf32, #tpu.memory_space<hbm>> -> memref<1x64xf32, #tpu.memory_space<hbm>>
      %dma_start3A_681 = tpu.memref_squeeze %dma_start3A_680 : memref<1x64xf32, #tpu.memory_space<hbm>> -> memref<64xf32, #tpu.memory_space<hbm>>
      tpu.enqueue_dma source(%dma_start3A_681 : memref<64xf32, #tpu.memory_space<hbm>>) target(%dma_start3A_678 : memref<64xf32, #tpu.memory_space<vmem>>) target_semaphore(%arg17 : memref<!tpu.dma_semaphore, #tpu.memory_space<semaphore_mem>>)
      %slice3A_682 = vector.extract_strided_slice %get3A_65 {offsets = [13], sizes = [1], strides = [1]} : vector<16xi32> to vector<1xi32>
      %squeeze3A_683 = vector.extract %slice3A_682[0] : i32 from vector<1xi32>
      %dma_start3A_684 = arith.constant 64 : i32
      %dma_start3A_685 = tpu.memref_slice %arg13[%add3A_667, %dma_start3A_684] : memref<256x128xf32, #tpu.memory_space<vmem>> -> memref<1x64xf32, #tpu.memory_space<vmem>>
      %dma_start3A_686 = tpu.memref_squeeze %dma_start3A_685 : memref<1x64xf32, #tpu.memory_space<vmem>> -> memref<64xf32, #tpu.memory_space<vmem>>
      %dma_start3A_687 = arith.constant 0 : i32
      %dma_start3A_688 = tpu.memref_slice %arg6[%squeeze3A_683, %dma_start3A_687] : memref<1000000x64xf32, #tpu.memory_space<hbm>> -> memref<1x64xf32, #tpu.memory_space<hbm>>
      %dma_start3A_689 = tpu.memref_squeeze %dma_start3A_688 : memref<1x64xf32, #tpu.memory_space<hbm>> -> memref<64xf32, #tpu.memory_space<hbm>>
      %dma_start3A_690 = arith.constant 64 : i32
      %dma_start3A_691 = tpu.memref_slice %arg13[%add3A_667, %dma_start3A_690] : memref<256x128xf32, #tpu.memory_space<vmem>> -> memref<1x64xf32, #tpu.memory_space<vmem>>
      %dma_start3A_692 = tpu.memref_squeeze %dma_start3A_691 : memref<1x64xf32, #tpu.memory_space<vmem>> -> memref<64xf32, #tpu.memory_space<vmem>>
      %dma_start3A_693 = arith.constant 0 : i32
      %dma_start3A_694 = tpu.memref_slice %arg6[%squeeze3A_683, %dma_start3A_693] : memref<1000000x64xf32, #tpu.memory_space<hbm>> -> memref<1x64xf32, #tpu.memory_space<hbm>>
      %dma_start3A_695 = tpu.memref_squeeze %dma_start3A_694 : memref<1x64xf32, #tpu.memory_space<hbm>> -> memref<64xf32, #tpu.memory_space<hbm>>
      tpu.enqueue_dma source(%dma_start3A_695 : memref<64xf32, #tpu.memory_space<hbm>>) target(%dma_start3A_692 : memref<64xf32, #tpu.memory_space<vmem>>) target_semaphore(%arg17 : memref<!tpu.dma_semaphore, #tpu.memory_space<semaphore_mem>>)
      %slice3A_696 = vector.extract_strided_slice %get3A_68 {offsets = [13], sizes = [1], strides = [1]} : vector<16xi32> to vector<1xi32>
      %squeeze3A_697 = vector.extract %slice3A_696[0] : i32 from vector<1xi32>
      %dma_start3A_698 = arith.constant 64 : i32
      %dma_start3A_699 = tpu.memref_slice %arg14[%add3A_667, %dma_start3A_698] : memref<256x128xf32, #tpu.memory_space<vmem>> -> memref<1x64xf32, #tpu.memory_space<vmem>>
      %dma_start3A_700 = tpu.memref_squeeze %dma_start3A_699 : memref<1x64xf32, #tpu.memory_space<vmem>> -> memref<64xf32, #tpu.memory_space<vmem>>
      %dma_start3A_701 = arith.constant 0 : i32
      %dma_start3A_702 = tpu.memref_slice %arg6[%squeeze3A_697, %dma_start3A_701] : memref<1000000x64xf32, #tpu.memory_space<hbm>> -> memref<1x64xf32, #tpu.memory_space<hbm>>
      %dma_start3A_703 = tpu.memref_squeeze %dma_start3A_702 : memref<1x64xf32, #tpu.memory_space<hbm>> -> memref<64xf32, #tpu.memory_space<hbm>>
      %dma_start3A_704 = arith.constant 64 : i32
      %dma_start3A_705 = tpu.memref_slice %arg14[%add3A_667, %dma_start3A_704] : memref<256x128xf32, #tpu.memory_space<vmem>> -> memref<1x64xf32, #tpu.memory_space<vmem>>
      %dma_start3A_706 = tpu.memref_squeeze %dma_start3A_705 : memref<1x64xf32, #tpu.memory_space<vmem>> -> memref<64xf32, #tpu.memory_space<vmem>>
      %dma_start3A_707 = arith.constant 0 : i32
      %dma_start3A_708 = tpu.memref_slice %arg6[%squeeze3A_697, %dma_start3A_707] : memref<1000000x64xf32, #tpu.memory_space<hbm>> -> memref<1x64xf32, #tpu.memory_space<hbm>>
      %dma_start3A_709 = tpu.memref_squeeze %dma_start3A_708 : memref<1x64xf32, #tpu.memory_space<hbm>> -> memref<64xf32, #tpu.memory_space<hbm>>
      tpu.enqueue_dma source(%dma_start3A_709 : memref<64xf32, #tpu.memory_space<hbm>>) target(%dma_start3A_706 : memref<64xf32, #tpu.memory_space<vmem>>) target_semaphore(%arg17 : memref<!tpu.dma_semaphore, #tpu.memory_space<semaphore_mem>>)
      %mul3A_710 = arith.constant 8 : i32
      %mul3A_711 = arith.muli %scan3A_55, %mul3A_710 : i32
      %add3A_712 = arith.constant 7 : i32
      %add3A_713 = arith.addi %mul3A_711, %add3A_712 : i32
      %slice3A_714 = vector.extract_strided_slice %get3A_62 {offsets = [14], sizes = [1], strides = [1]} : vector<16xi32> to vector<1xi32>
      %squeeze3A_715 = vector.extract %slice3A_714[0] : i32 from vector<1xi32>
      %dma_start3A_716 = arith.constant 0 : i32
      %dma_start3A_717 = tpu.memref_slice %arg12[%add3A_713, %dma_start3A_716] : memref<256x128xf32, #tpu.memory_space<vmem>> -> memref<1x64xf32, #tpu.memory_space<vmem>>
      %dma_start3A_718 = tpu.memref_squeeze %dma_start3A_717 : memref<1x64xf32, #tpu.memory_space<vmem>> -> memref<64xf32, #tpu.memory_space<vmem>>
      %dma_start3A_719 = arith.constant 0 : i32
      %dma_start3A_720 = tpu.memref_slice %arg5[%squeeze3A_715, %dma_start3A_719] : memref<1000000x64xf32, #tpu.memory_space<hbm>> -> memref<1x64xf32, #tpu.memory_space<hbm>>
      %dma_start3A_721 = tpu.memref_squeeze %dma_start3A_720 : memref<1x64xf32, #tpu.memory_space<hbm>> -> memref<64xf32, #tpu.memory_space<hbm>>
      %dma_start3A_722 = arith.constant 0 : i32
      %dma_start3A_723 = tpu.memref_slice %arg12[%add3A_713, %dma_start3A_722] : memref<256x128xf32, #tpu.memory_space<vmem>> -> memref<1x64xf32, #tpu.memory_space<vmem>>
      %dma_start3A_724 = tpu.memref_squeeze %dma_start3A_723 : memref<1x64xf32, #tpu.memory_space<vmem>> -> memref<64xf32, #tpu.memory_space<vmem>>
      %dma_start3A_725 = arith.constant 0 : i32
      %dma_start3A_726 = tpu.memref_slice %arg5[%squeeze3A_715, %dma_start3A_725] : memref<1000000x64xf32, #tpu.memory_space<hbm>> -> memref<1x64xf32, #tpu.memory_space<hbm>>
      %dma_start3A_727 = tpu.memref_squeeze %dma_start3A_726 : memref<1x64xf32, #tpu.memory_space<hbm>> -> memref<64xf32, #tpu.memory_space<hbm>>
      tpu.enqueue_dma source(%dma_start3A_727 : memref<64xf32, #tpu.memory_space<hbm>>) target(%dma_start3A_724 : memref<64xf32, #tpu.memory_space<vmem>>) target_semaphore(%arg17 : memref<!tpu.dma_semaphore, #tpu.memory_space<semaphore_mem>>)
      %slice3A_728 = vector.extract_strided_slice %get3A_65 {offsets = [14], sizes = [1], strides = [1]} : vector<16xi32> to vector<1xi32>
      %squeeze3A_729 = vector.extract %slice3A_728[0] : i32 from vector<1xi32>
      %dma_start3A_730 = arith.constant 0 : i32
      %dma_start3A_731 = tpu.memref_slice %arg13[%add3A_713, %dma_start3A_730] : memref<256x128xf32, #tpu.memory_space<vmem>> -> memref<1x64xf32, #tpu.memory_space<vmem>>
      %dma_start3A_732 = tpu.memref_squeeze %dma_start3A_731 : memref<1x64xf32, #tpu.memory_space<vmem>> -> memref<64xf32, #tpu.memory_space<vmem>>
      %dma_start3A_733 = arith.constant 0 : i32
      %dma_start3A_734 = tpu.memref_slice %arg6[%squeeze3A_729, %dma_start3A_733] : memref<1000000x64xf32, #tpu.memory_space<hbm>> -> memref<1x64xf32, #tpu.memory_space<hbm>>
      %dma_start3A_735 = tpu.memref_squeeze %dma_start3A_734 : memref<1x64xf32, #tpu.memory_space<hbm>> -> memref<64xf32, #tpu.memory_space<hbm>>
      %dma_start3A_736 = arith.constant 0 : i32
      %dma_start3A_737 = tpu.memref_slice %arg13[%add3A_713, %dma_start3A_736] : memref<256x128xf32, #tpu.memory_space<vmem>> -> memref<1x64xf32, #tpu.memory_space<vmem>>
      %dma_start3A_738 = tpu.memref_squeeze %dma_start3A_737 : memref<1x64xf32, #tpu.memory_space<vmem>> -> memref<64xf32, #tpu.memory_space<vmem>>
      %dma_start3A_739 = arith.constant 0 : i32
      %dma_start3A_740 = tpu.memref_slice %arg6[%squeeze3A_729, %dma_start3A_739] : memref<1000000x64xf32, #tpu.memory_space<hbm>> -> memref<1x64xf32, #tpu.memory_space<hbm>>
      %dma_start3A_741 = tpu.memref_squeeze %dma_start3A_740 : memref<1x64xf32, #tpu.memory_space<hbm>> -> memref<64xf32, #tpu.memory_space<hbm>>
      tpu.enqueue_dma source(%dma_start3A_741 : memref<64xf32, #tpu.memory_space<hbm>>) target(%dma_start3A_738 : memref<64xf32, #tpu.memory_space<vmem>>) target_semaphore(%arg17 : memref<!tpu.dma_semaphore, #tpu.memory_space<semaphore_mem>>)
      %slice3A_742 = vector.extract_strided_slice %get3A_68 {offsets = [14], sizes = [1], strides = [1]} : vector<16xi32> to vector<1xi32>
      %squeeze3A_743 = vector.extract %slice3A_742[0] : i32 from vector<1xi32>
      %dma_start3A_744 = arith.constant 0 : i32
      %dma_start3A_745 = tpu.memref_slice %arg14[%add3A_713, %dma_start3A_744] : memref<256x128xf32, #tpu.memory_space<vmem>> -> memref<1x64xf32, #tpu.memory_space<vmem>>
      %dma_start3A_746 = tpu.memref_squeeze %dma_start3A_745 : memref<1x64xf32, #tpu.memory_space<vmem>> -> memref<64xf32, #tpu.memory_space<vmem>>
      %dma_start3A_747 = arith.constant 0 : i32
      %dma_start3A_748 = tpu.memref_slice %arg6[%squeeze3A_743, %dma_start3A_747] : memref<1000000x64xf32, #tpu.memory_space<hbm>> -> memref<1x64xf32, #tpu.memory_space<hbm>>
      %dma_start3A_749 = tpu.memref_squeeze %dma_start3A_748 : memref<1x64xf32, #tpu.memory_space<hbm>> -> memref<64xf32, #tpu.memory_space<hbm>>
      %dma_start3A_750 = arith.constant 0 : i32
      %dma_start3A_751 = tpu.memref_slice %arg14[%add3A_713, %dma_start3A_750] : memref<256x128xf32, #tpu.memory_space<vmem>> -> memref<1x64xf32, #tpu.memory_space<vmem>>
      %dma_start3A_752 = tpu.memref_squeeze %dma_start3A_751 : memref<1x64xf32, #tpu.memory_space<vmem>> -> memref<64xf32, #tpu.memory_space<vmem>>
      %dma_start3A_753 = arith.constant 0 : i32
      %dma_start3A_754 = tpu.memref_slice %arg6[%squeeze3A_743, %dma_start3A_753] : memref<1000000x64xf32, #tpu.memory_space<hbm>> -> memref<1x64xf32, #tpu.memory_space<hbm>>
      %dma_start3A_755 = tpu.memref_squeeze %dma_start3A_754 : memref<1x64xf32, #tpu.memory_space<hbm>> -> memref<64xf32, #tpu.memory_space<hbm>>
      tpu.enqueue_dma source(%dma_start3A_755 : memref<64xf32, #tpu.memory_space<hbm>>) target(%dma_start3A_752 : memref<64xf32, #tpu.memory_space<vmem>>) target_semaphore(%arg17 : memref<!tpu.dma_semaphore, #tpu.memory_space<semaphore_mem>>)
      %mul3A_756 = arith.constant 8 : i32
      %mul3A_757 = arith.muli %scan3A_55, %mul3A_756 : i32
      %add3A_758 = arith.constant 7 : i32
      %add3A_759 = arith.addi %mul3A_757, %add3A_758 : i32
      %slice3A_760 = vector.extract_strided_slice %get3A_62 {offsets = [15], sizes = [1], strides = [1]} : vector<16xi32> to vector<1xi32>
      %squeeze3A_761 = vector.extract %slice3A_760[0] : i32 from vector<1xi32>
      %dma_start3A_762 = arith.constant 64 : i32
      %dma_start3A_763 = tpu.memref_slice %arg12[%add3A_759, %dma_start3A_762] : memref<256x128xf32, #tpu.memory_space<vmem>> -> memref<1x64xf32, #tpu.memory_space<vmem>>
      %dma_start3A_764 = tpu.memref_squeeze %dma_start3A_763 : memref<1x64xf32, #tpu.memory_space<vmem>> -> memref<64xf32, #tpu.memory_space<vmem>>
      %dma_start3A_765 = arith.constant 0 : i32
      %dma_start3A_766 = tpu.memref_slice %arg5[%squeeze3A_761, %dma_start3A_765] : memref<1000000x64xf32, #tpu.memory_space<hbm>> -> memref<1x64xf32, #tpu.memory_space<hbm>>
      %dma_start3A_767 = tpu.memref_squeeze %dma_start3A_766 : memref<1x64xf32, #tpu.memory_space<hbm>> -> memref<64xf32, #tpu.memory_space<hbm>>
      %dma_start3A_768 = arith.constant 64 : i32
      %dma_start3A_769 = tpu.memref_slice %arg12[%add3A_759, %dma_start3A_768] : memref<256x128xf32, #tpu.memory_space<vmem>> -> memref<1x64xf32, #tpu.memory_space<vmem>>
      %dma_start3A_770 = tpu.memref_squeeze %dma_start3A_769 : memref<1x64xf32, #tpu.memory_space<vmem>> -> memref<64xf32, #tpu.memory_space<vmem>>
      %dma_start3A_771 = arith.constant 0 : i32
      %dma_start3A_772 = tpu.memref_slice %arg5[%squeeze3A_761, %dma_start3A_771] : memref<1000000x64xf32, #tpu.memory_space<hbm>> -> memref<1x64xf32, #tpu.memory_space<hbm>>
      %dma_start3A_773 = tpu.memref_squeeze %dma_start3A_772 : memref<1x64xf32, #tpu.memory_space<hbm>> -> memref<64xf32, #tpu.memory_space<hbm>>
      tpu.enqueue_dma source(%dma_start3A_773 : memref<64xf32, #tpu.memory_space<hbm>>) target(%dma_start3A_770 : memref<64xf32, #tpu.memory_space<vmem>>) target_semaphore(%arg17 : memref<!tpu.dma_semaphore, #tpu.memory_space<semaphore_mem>>)
      %slice3A_774 = vector.extract_strided_slice %get3A_65 {offsets = [15], sizes = [1], strides = [1]} : vector<16xi32> to vector<1xi32>
      %squeeze3A_775 = vector.extract %slice3A_774[0] : i32 from vector<1xi32>
      %dma_start3A_776 = arith.constant 64 : i32
      %dma_start3A_777 = tpu.memref_slice %arg13[%add3A_759, %dma_start3A_776] : memref<256x128xf32, #tpu.memory_space<vmem>> -> memref<1x64xf32, #tpu.memory_space<vmem>>
      %dma_start3A_778 = tpu.memref_squeeze %dma_start3A_777 : memref<1x64xf32, #tpu.memory_space<vmem>> -> memref<64xf32, #tpu.memory_space<vmem>>
      %dma_start3A_779 = arith.constant 0 : i32
      %dma_start3A_780 = tpu.memref_slice %arg6[%squeeze3A_775, %dma_start3A_779] : memref<1000000x64xf32, #tpu.memory_space<hbm>> -> memref<1x64xf32, #tpu.memory_space<hbm>>
      %dma_start3A_781 = tpu.memref_squeeze %dma_start3A_780 : memref<1x64xf32, #tpu.memory_space<hbm>> -> memref<64xf32, #tpu.memory_space<hbm>>
      %dma_start3A_782 = arith.constant 64 : i32
      %dma_start3A_783 = tpu.memref_slice %arg13[%add3A_759, %dma_start3A_782] : memref<256x128xf32, #tpu.memory_space<vmem>> -> memref<1x64xf32, #tpu.memory_space<vmem>>
      %dma_start3A_784 = tpu.memref_squeeze %dma_start3A_783 : memref<1x64xf32, #tpu.memory_space<vmem>> -> memref<64xf32, #tpu.memory_space<vmem>>
      %dma_start3A_785 = arith.constant 0 : i32
      %dma_start3A_786 = tpu.memref_slice %arg6[%squeeze3A_775, %dma_start3A_785] : memref<1000000x64xf32, #tpu.memory_space<hbm>> -> memref<1x64xf32, #tpu.memory_space<hbm>>
      %dma_start3A_787 = tpu.memref_squeeze %dma_start3A_786 : memref<1x64xf32, #tpu.memory_space<hbm>> -> memref<64xf32, #tpu.memory_space<hbm>>
      tpu.enqueue_dma source(%dma_start3A_787 : memref<64xf32, #tpu.memory_space<hbm>>) target(%dma_start3A_784 : memref<64xf32, #tpu.memory_space<vmem>>) target_semaphore(%arg17 : memref<!tpu.dma_semaphore, #tpu.memory_space<semaphore_mem>>)
      %slice3A_788 = vector.extract_strided_slice %get3A_68 {offsets = [15], sizes = [1], strides = [1]} : vector<16xi32> to vector<1xi32>
      %squeeze3A_789 = vector.extract %slice3A_788[0] : i32 from vector<1xi32>
      %dma_start3A_790 = arith.constant 64 : i32
      %dma_start3A_791 = tpu.memref_slice %arg14[%add3A_759, %dma_start3A_790] : memref<256x128xf32, #tpu.memory_space<vmem>> -> memref<1x64xf32, #tpu.memory_space<vmem>>
      %dma_start3A_792 = tpu.memref_squeeze %dma_start3A_791 : memref<1x64xf32, #tpu.memory_space<vmem>> -> memref<64xf32, #tpu.memory_space<vmem>>
      %dma_start3A_793 = arith.constant 0 : i32
      %dma_start3A_794 = tpu.memref_slice %arg6[%squeeze3A_789, %dma_start3A_793] : memref<1000000x64xf32, #tpu.memory_space<hbm>> -> memref<1x64xf32, #tpu.memory_space<hbm>>
      %dma_start3A_795 = tpu.memref_squeeze %dma_start3A_794 : memref<1x64xf32, #tpu.memory_space<hbm>> -> memref<64xf32, #tpu.memory_space<hbm>>
      %dma_start3A_796 = arith.constant 64 : i32
      %dma_start3A_797 = tpu.memref_slice %arg14[%add3A_759, %dma_start3A_796] : memref<256x128xf32, #tpu.memory_space<vmem>> -> memref<1x64xf32, #tpu.memory_space<vmem>>
      %dma_start3A_798 = tpu.memref_squeeze %dma_start3A_797 : memref<1x64xf32, #tpu.memory_space<vmem>> -> memref<64xf32, #tpu.memory_space<vmem>>
      %dma_start3A_799 = arith.constant 0 : i32
      %dma_start3A_800 = tpu.memref_slice %arg6[%squeeze3A_789, %dma_start3A_799] : memref<1000000x64xf32, #tpu.memory_space<hbm>> -> memref<1x64xf32, #tpu.memory_space<hbm>>
      %dma_start3A_801 = tpu.memref_squeeze %dma_start3A_800 : memref<1x64xf32, #tpu.memory_space<hbm>> -> memref<64xf32, #tpu.memory_space<hbm>>
      tpu.enqueue_dma source(%dma_start3A_801 : memref<64xf32, #tpu.memory_space<hbm>>) target(%dma_start3A_798 : memref<64xf32, #tpu.memory_space<vmem>>) target_semaphore(%arg17 : memref<!tpu.dma_semaphore, #tpu.memory_space<semaphore_mem>>)
      %scan3A_802 = arith.constant 0 : i32
      scf.yield %scan3A_802 : i32
    }
    %scan3A_8 = arith.constant 32 : i32
    %dma_wait3A = arith.constant 0 : i32
    %dma_wait3A_9 = arith.constant 0 : i32
    %dma_wait3A_10 = tpu.memref_slice %arg12[%dma_wait3A, %dma_wait3A_9] : memref<256x128xf32, #tpu.memory_space<vmem>> -> memref<128x128xf32, #tpu.memory_space<vmem>>
    %dma_wait3A_11 = arith.constant 0 : i32
    %dma_wait3A_12 = arith.constant 0 : i32
    %dma_wait3A_13 = tpu.memref_slice %arg12[%dma_wait3A_11, %dma_wait3A_12] : memref<256x128xf32, #tpu.memory_space<vmem>> -> memref<128x128xf32, #tpu.memory_space<vmem>>
    tpu.wait_dma2 semaphore(%arg17 : memref<!tpu.dma_semaphore, #tpu.memory_space<semaphore_mem>>) src(%arg7 : memref<128x128xf32, #tpu.memory_space<hbm>>) dst(%dma_wait3A_13 : memref<128x128xf32, #tpu.memory_space<vmem>>)
    %dma_wait3A_14 = arith.constant 128 : i32
    %dma_wait3A_15 = arith.constant 0 : i32
    %dma_wait3A_16 = tpu.memref_slice %arg12[%dma_wait3A_14, %dma_wait3A_15] : memref<256x128xf32, #tpu.memory_space<vmem>> -> memref<128x128xf32, #tpu.memory_space<vmem>>
    %dma_wait3A_17 = arith.constant 128 : i32
    %dma_wait3A_18 = arith.constant 0 : i32
    %dma_wait3A_19 = tpu.memref_slice %arg12[%dma_wait3A_17, %dma_wait3A_18] : memref<256x128xf32, #tpu.memory_space<vmem>> -> memref<128x128xf32, #tpu.memory_space<vmem>>
    tpu.wait_dma2 semaphore(%arg17 : memref<!tpu.dma_semaphore, #tpu.memory_space<semaphore_mem>>) src(%arg7 : memref<128x128xf32, #tpu.memory_space<hbm>>) dst(%dma_wait3A_19 : memref<128x128xf32, #tpu.memory_space<vmem>>)
    %dma_wait3A_20 = arith.constant 0 : i32
    %dma_wait3A_21 = arith.constant 0 : i32
    %dma_wait3A_22 = tpu.memref_slice %arg13[%dma_wait3A_20, %dma_wait3A_21] : memref<256x128xf32, #tpu.memory_space<vmem>> -> memref<128x128xf32, #tpu.memory_space<vmem>>
    %dma_wait3A_23 = arith.constant 0 : i32
    %dma_wait3A_24 = arith.constant 0 : i32
    %dma_wait3A_25 = tpu.memref_slice %arg13[%dma_wait3A_23, %dma_wait3A_24] : memref<256x128xf32, #tpu.memory_space<vmem>> -> memref<128x128xf32, #tpu.memory_space<vmem>>
    tpu.wait_dma2 semaphore(%arg17 : memref<!tpu.dma_semaphore, #tpu.memory_space<semaphore_mem>>) src(%arg7 : memref<128x128xf32, #tpu.memory_space<hbm>>) dst(%dma_wait3A_25 : memref<128x128xf32, #tpu.memory_space<vmem>>)
    %dma_wait3A_26 = arith.constant 128 : i32
    %dma_wait3A_27 = arith.constant 0 : i32
    %dma_wait3A_28 = tpu.memref_slice %arg13[%dma_wait3A_26, %dma_wait3A_27] : memref<256x128xf32, #tpu.memory_space<vmem>> -> memref<128x128xf32, #tpu.memory_space<vmem>>
    %dma_wait3A_29 = arith.constant 128 : i32
    %dma_wait3A_30 = arith.constant 0 : i32
    %dma_wait3A_31 = tpu.memref_slice %arg13[%dma_wait3A_29, %dma_wait3A_30] : memref<256x128xf32, #tpu.memory_space<vmem>> -> memref<128x128xf32, #tpu.memory_space<vmem>>
    tpu.wait_dma2 semaphore(%arg17 : memref<!tpu.dma_semaphore, #tpu.memory_space<semaphore_mem>>) src(%arg7 : memref<128x128xf32, #tpu.memory_space<hbm>>) dst(%dma_wait3A_31 : memref<128x128xf32, #tpu.memory_space<vmem>>)
    %dma_wait3A_32 = arith.constant 0 : i32
    %dma_wait3A_33 = arith.constant 0 : i32
    %dma_wait3A_34 = tpu.memref_slice %arg14[%dma_wait3A_32, %dma_wait3A_33] : memref<256x128xf32, #tpu.memory_space<vmem>> -> memref<128x128xf32, #tpu.memory_space<vmem>>
    %dma_wait3A_35 = arith.constant 0 : i32
    %dma_wait3A_36 = arith.constant 0 : i32
    %dma_wait3A_37 = tpu.memref_slice %arg14[%dma_wait3A_35, %dma_wait3A_36] : memref<256x128xf32, #tpu.memory_space<vmem>> -> memref<128x128xf32, #tpu.memory_space<vmem>>
    tpu.wait_dma2 semaphore(%arg17 : memref<!tpu.dma_semaphore, #tpu.memory_space<semaphore_mem>>) src(%arg7 : memref<128x128xf32, #tpu.memory_space<hbm>>) dst(%dma_wait3A_37 : memref<128x128xf32, #tpu.memory_space<vmem>>)
    %dma_wait3A_38 = arith.constant 128 : i32
    %dma_wait3A_39 = arith.constant 0 : i32
    %dma_wait3A_40 = tpu.memref_slice %arg14[%dma_wait3A_38, %dma_wait3A_39] : memref<256x128xf32, #tpu.memory_space<vmem>> -> memref<128x128xf32, #tpu.memory_space<vmem>>
    %dma_wait3A_41 = arith.constant 128 : i32
    %dma_wait3A_42 = arith.constant 0 : i32
    %dma_wait3A_43 = tpu.memref_slice %arg14[%dma_wait3A_41, %dma_wait3A_42] : memref<256x128xf32, #tpu.memory_space<vmem>> -> memref<128x128xf32, #tpu.memory_space<vmem>>
    tpu.wait_dma2 semaphore(%arg17 : memref<!tpu.dma_semaphore, #tpu.memory_space<semaphore_mem>>) src(%arg7 : memref<128x128xf32, #tpu.memory_space<hbm>>) dst(%dma_wait3A_43 : memref<128x128xf32, #tpu.memory_space<vmem>>)
    %broadcast_in_dim3A = arith.constant 0.000000e+00 : f32
    %broadcast_in_dim3A_44 = vector.broadcast %broadcast_in_dim3A : f32 to vector<16xf32>
    %scan3A_45 = arith.constant 0 : i32
    %scan3A_46 = arith.constant 32 : i32
    %scan3A_47 = arith.addi %scan3A_45, %scan3A_46 : i32
    %scan3A_48 = arith.constant 1 : i32
    %scan3A_49:2 = scf.for %scan3A_55 = %scan3A_45 to %scan3A_47 step %scan3A_48 iter_args(%scan3A_56 = %broadcast_in_dim3A_44, %scan3A_57 = %broadcast_in_dim3A_44) -> (vector<16xf32>, vector<16xf32>)  : i32 {
      %iota3A = tpu.iota {dimensions = array<i32: 0>} : vector<16xi32>
      %mul3A_58 = arith.constant 16 : i32
      %mul3A_59 = arith.muli %scan3A_55, %mul3A_58 : i32
      %add3A_60 = vector.broadcast %mul3A_59 : i32 to vector<16xi32>
      %add3A_61 = arith.addi %iota3A, %add3A_60 : vector<16xi32>
      %mul3A_62 = arith.constant 64 : i32
      %mul3A_63 = vector.broadcast %mul3A_62 : i32 to vector<16xi32>
      %mul3A_64 = arith.muli %add3A_61, %mul3A_63 : vector<16xi32>
      %scan3A_65 = arith.constant 0 : i32
      %scan3A_66 = arith.constant 16 : i32
      %scan3A_67 = arith.addi %scan3A_65, %scan3A_66 : i32
      %scan3A_68 = arith.constant 1 : i32
      %scan3A_69:4 = scf.for %scan3A_79 = %scan3A_65 to %scan3A_67 step %scan3A_68 iter_args(%scan3A_80 = %broadcast_in_dim3A_44, %scan3A_81 = %broadcast_in_dim3A_44, %scan3A_82 = %scan3A_56, %scan3A_83 = %scan3A_57) -> (vector<16xf32>, vector<16xf32>, vector<16xf32>, vector<16xf32>)  : i32 {
        %mul3A_84 = arith.constant 4 : i32
        %mul3A_85 = arith.muli %scan3A_79, %mul3A_84 : i32
        %add3A_86 = arith.constant 0 : i32
        %add3A_87 = arith.addi %mul3A_85, %add3A_86 : i32
        %add3A_88 = vector.broadcast %add3A_87 : i32 to vector<16xi32>
        %add3A_89 = arith.addi %mul3A_64, %add3A_88 : vector<16xi32>
        %shift_right_logical3A = arith.constant 7 : i32
        %shift_right_logical3A_90 = vector.broadcast %shift_right_logical3A : i32 to vector<16xi32>
        %shift_right_logical3A_91 = arith.shrui %add3A_89, %shift_right_logical3A_90 : vector<16xi32>
        %and3A_92 = arith.constant 127 : i32
        %and3A_93 = vector.broadcast %and3A_92 : i32 to vector<16xi32>
        %and3A_94 = arith.andi %add3A_89, %and3A_93 : vector<16xi32>
        %gather3A = tpu.vector_load_idx %arg12[%shift_right_logical3A_91, %and3A_94] : memref<256x128xf32, #tpu.memory_space<vmem>>[vector<16xi32>, vector<16xi32>], vector<16xf32>,
        %gather3A_95 = tpu.vector_load_idx %arg13[%shift_right_logical3A_91, %and3A_94] : memref<256x128xf32, #tpu.memory_space<vmem>>[vector<16xi32>, vector<16xi32>], vector<16xf32>,
        %gather3A_96 = tpu.vector_load_idx %arg14[%shift_right_logical3A_91, %and3A_94] : memref<256x128xf32, #tpu.memory_space<vmem>>[vector<16xi32>, vector<16xi32>], vector<16xf32>,
        %sub3A = arith.subf %gather3A_95, %gather3A_96 : vector<16xf32>
        %mul3A_97 = arith.mulf %gather3A, %sub3A : vector<16xf32>
        %mul3A_98 = arith.mulf %gather3A, %gather3A : vector<16xf32>
        %mul3A_99 = arith.mulf %gather3A_95, %gather3A_95 : vector<16xf32>
        %mul3A_100 = arith.mulf %gather3A_96, %gather3A_96 : vector<16xf32>
        %add3A_101 = arith.addf %mul3A_99, %mul3A_100 : vector<16xf32>
        %add3A_102 = arith.addf %mul3A_98, %add3A_101 : vector<16xf32>
        %add3A_103 = arith.addf %scan3A_80, %mul3A_97 : vector<16xf32>
        %add3A_104 = arith.addf %scan3A_82, %add3A_102 : vector<16xf32>
        %add3A_105 = arith.constant 1 : i32
        %add3A_106 = arith.addi %mul3A_85, %add3A_105 : i32
        %add3A_107 = vector.broadcast %add3A_106 : i32 to vector<16xi32>
        %add3A_108 = arith.addi %mul3A_64, %add3A_107 : vector<16xi32>
        %shift_right_logical3A_109 = arith.constant 7 : i32
        %shift_right_logical3A_110 = vector.broadcast %shift_right_logical3A_109 : i32 to vector<16xi32>
        %shift_right_logical3A_111 = arith.shrui %add3A_108, %shift_right_logical3A_110 : vector<16xi32>
        %and3A_112 = arith.constant 127 : i32
        %and3A_113 = vector.broadcast %and3A_112 : i32 to vector<16xi32>
        %and3A_114 = arith.andi %add3A_108, %and3A_113 : vector<16xi32>
        %gather3A_115 = tpu.vector_load_idx %arg12[%shift_right_logical3A_111, %and3A_114] : memref<256x128xf32, #tpu.memory_space<vmem>>[vector<16xi32>, vector<16xi32>], vector<16xf32>,
        %gather3A_116 = tpu.vector_load_idx %arg13[%shift_right_logical3A_111, %and3A_114] : memref<256x128xf32, #tpu.memory_space<vmem>>[vector<16xi32>, vector<16xi32>], vector<16xf32>,
        %gather3A_117 = tpu.vector_load_idx %arg14[%shift_right_logical3A_111, %and3A_114] : memref<256x128xf32, #tpu.memory_space<vmem>>[vector<16xi32>, vector<16xi32>], vector<16xf32>,
        %sub3A_118 = arith.subf %gather3A_116, %gather3A_117 : vector<16xf32>
        %mul3A_119 = arith.mulf %gather3A_115, %sub3A_118 : vector<16xf32>
        %mul3A_120 = arith.mulf %gather3A_115, %gather3A_115 : vector<16xf32>
        %mul3A_121 = arith.mulf %gather3A_116, %gather3A_116 : vector<16xf32>
        %mul3A_122 = arith.mulf %gather3A_117, %gather3A_117 : vector<16xf32>
        %add3A_123 = arith.addf %mul3A_121, %mul3A_122 : vector<16xf32>
        %add3A_124 = arith.addf %mul3A_120, %add3A_123 : vector<16xf32>
        %add3A_125 = arith.addf %scan3A_81, %mul3A_119 : vector<16xf32>
        %add3A_126 = arith.addf %scan3A_83, %add3A_124 : vector<16xf32>
        %add3A_127 = arith.constant 2 : i32
        %add3A_128 = arith.addi %mul3A_85, %add3A_127 : i32
        %add3A_129 = vector.broadcast %add3A_128 : i32 to vector<16xi32>
        %add3A_130 = arith.addi %mul3A_64, %add3A_129 : vector<16xi32>
        %shift_right_logical3A_131 = arith.constant 7 : i32
        %shift_right_logical3A_132 = vector.broadcast %shift_right_logical3A_131 : i32 to vector<16xi32>
        %shift_right_logical3A_133 = arith.shrui %add3A_130, %shift_right_logical3A_132 : vector<16xi32>
        %and3A_134 = arith.constant 127 : i32
        %and3A_135 = vector.broadcast %and3A_134 : i32 to vector<16xi32>
        %and3A_136 = arith.andi %add3A_130, %and3A_135 : vector<16xi32>
        %gather3A_137 = tpu.vector_load_idx %arg12[%shift_right_logical3A_133, %and3A_136] : memref<256x128xf32, #tpu.memory_space<vmem>>[vector<16xi32>, vector<16xi32>], vector<16xf32>,
        %gather3A_138 = tpu.vector_load_idx %arg13[%shift_right_logical3A_133, %and3A_136] : memref<256x128xf32, #tpu.memory_space<vmem>>[vector<16xi32>, vector<16xi32>], vector<16xf32>,
        %gather3A_139 = tpu.vector_load_idx %arg14[%shift_right_logical3A_133, %and3A_136] : memref<256x128xf32, #tpu.memory_space<vmem>>[vector<16xi32>, vector<16xi32>], vector<16xf32>,
        %sub3A_140 = arith.subf %gather3A_138, %gather3A_139 : vector<16xf32>
        %mul3A_141 = arith.mulf %gather3A_137, %sub3A_140 : vector<16xf32>
        %mul3A_142 = arith.mulf %gather3A_137, %gather3A_137 : vector<16xf32>
        %mul3A_143 = arith.mulf %gather3A_138, %gather3A_138 : vector<16xf32>
        %mul3A_144 = arith.mulf %gather3A_139, %gather3A_139 : vector<16xf32>
        %add3A_145 = arith.addf %mul3A_143, %mul3A_144 : vector<16xf32>
        %add3A_146 = arith.addf %mul3A_142, %add3A_145 : vector<16xf32>
        %add3A_147 = arith.addf %add3A_103, %mul3A_141 : vector<16xf32>
        %add3A_148 = arith.addf %add3A_104, %add3A_146 : vector<16xf32>
        %add3A_149 = arith.constant 3 : i32
        %add3A_150 = arith.addi %mul3A_85, %add3A_149 : i32
        %add3A_151 = vector.broadcast %add3A_150 : i32 to vector<16xi32>
        %add3A_152 = arith.addi %mul3A_64, %add3A_151 : vector<16xi32>
        %shift_right_logical3A_153 = arith.constant 7 : i32
        %shift_right_logical3A_154 = vector.broadcast %shift_right_logical3A_153 : i32 to vector<16xi32>
        %shift_right_logical3A_155 = arith.shrui %add3A_152, %shift_right_logical3A_154 : vector<16xi32>
        %and3A_156 = arith.constant 127 : i32
        %and3A_157 = vector.broadcast %and3A_156 : i32 to vector<16xi32>
        %and3A_158 = arith.andi %add3A_152, %and3A_157 : vector<16xi32>
        %gather3A_159 = tpu.vector_load_idx %arg12[%shift_right_logical3A_155, %and3A_158] : memref<256x128xf32, #tpu.memory_space<vmem>>[vector<16xi32>, vector<16xi32>], vector<16xf32>,
        %gather3A_160 = tpu.vector_load_idx %arg13[%shift_right_logical3A_155, %and3A_158] : memref<256x128xf32, #tpu.memory_space<vmem>>[vector<16xi32>, vector<16xi32>], vector<16xf32>,
        %gather3A_161 = tpu.vector_load_idx %arg14[%shift_right_logical3A_155, %and3A_158] : memref<256x128xf32, #tpu.memory_space<vmem>>[vector<16xi32>, vector<16xi32>], vector<16xf32>,
        %sub3A_162 = arith.subf %gather3A_160, %gather3A_161 : vector<16xf32>
        %mul3A_163 = arith.mulf %gather3A_159, %sub3A_162 : vector<16xf32>
        %mul3A_164 = arith.mulf %gather3A_159, %gather3A_159 : vector<16xf32>
        %mul3A_165 = arith.mulf %gather3A_160, %gather3A_160 : vector<16xf32>
        %mul3A_166 = arith.mulf %gather3A_161, %gather3A_161 : vector<16xf32>
        %add3A_167 = arith.addf %mul3A_165, %mul3A_166 : vector<16xf32>
        %add3A_168 = arith.addf %mul3A_164, %add3A_167 : vector<16xf32>
        %add3A_169 = arith.addf %add3A_125, %mul3A_163 : vector<16xf32>
        %add3A_170 = arith.addf %add3A_126, %add3A_168 : vector<16xf32>
        scf.yield %add3A_147, %add3A_169, %add3A_148, %add3A_170 : vector<16xf32>, vector<16xf32>, vector<16xf32>, vector<16xf32>
      }
      %scan3A_70 = arith.constant 16 : i32
      %add3A_71 = arith.addf %scan3A_69#0, %scan3A_69#1 : vector<16xf32>
      %shift_right_arithmetic3A = arith.constant 3 : i32
      %shift_right_arithmetic3A_72 = arith.shrsi %scan3A_55, %shift_right_arithmetic3A : i32
      %and3A = arith.constant 7 : i32
      %and3A_73 = arith.andi %scan3A_55, %and3A : i32
      %mul3A_74 = arith.constant 16 : i32
      %mul3A_75 = arith.muli %and3A_73, %mul3A_74 : i32
      %swap3A_76 = arith.index_cast %shift_right_arithmetic3A_72 : i32 to index
      %swap3A_77 = arith.index_cast %mul3A_75 : i32 to index
      %swap3A_78 = tpu.vector_load %arg15[%swap3A_76, %swap3A_77] {strides = array<i32>} : memref<4x128xf32, #tpu.memory_space<vmem>>, vector<16xf32>,
      tpu.vector_store %arg15[%swap3A_76, %swap3A_77], %add3A_71 {strides = array<i32>} : memref<4x128xf32, #tpu.memory_space<vmem>>, vector<16xf32>,
      scf.yield %scan3A_69#2, %scan3A_69#3 : vector<16xf32>, vector<16xf32>
    }
    %scan3A_50 = arith.constant 32 : i32
    %add3A_51 = arith.addf %scan3A_49#0, %scan3A_49#1 : vector<16xf32>
    %swap3A = arith.constant 0 : index
    %swap3A_52 = tpu.vector_load %arg16[%swap3A] {strides = array<i32>} : memref<16xf32, #tpu.memory_space<vmem>>, vector<16xf32>,
    tpu.vector_store %arg16[%swap3A], %add3A_51 {strides = array<i32>} : memref<16xf32, #tpu.memory_space<vmem>>, vector<16xf32>,
    %mul3A_53 = arith.constant 4 : i32
    %mul3A_54 = arith.muli %add3A, %mul3A_53 : i32
    "tpu.region"() ({
      %run_scoped3A = tpu.sem_alloc : memref<!tpu.dma_semaphore, #tpu.memory_space<semaphore_mem>>
      %dma_start3A = arith.constant 0 : i32
      %dma_start3A_55 = tpu.memref_slice %arg7[%mul3A_54, %dma_start3A] : memref<128x128xf32, #tpu.memory_space<hbm>> -> memref<4x128xf32, #tpu.memory_space<hbm>>
      %dma_start3A_56 = arith.constant 0 : i32
      %dma_start3A_57 = tpu.memref_slice %arg7[%mul3A_54, %dma_start3A_56] : memref<128x128xf32, #tpu.memory_space<hbm>> -> memref<4x128xf32, #tpu.memory_space<hbm>>
      tpu.enqueue_dma source(%arg15 : memref<4x128xf32, #tpu.memory_space<vmem>>) target(%dma_start3A_57 : memref<4x128xf32, #tpu.memory_space<hbm>>) target_semaphore(%run_scoped3A : memref<!tpu.dma_semaphore, #tpu.memory_space<semaphore_mem>>)
      %dma_wait3A_58 = arith.constant 0 : i32
      %dma_wait3A_59 = tpu.memref_slice %arg7[%mul3A_54, %dma_wait3A_58] : memref<128x128xf32, #tpu.memory_space<hbm>> -> memref<4x128xf32, #tpu.memory_space<hbm>>
      %dma_wait3A_60 = arith.constant 0 : i32
      %dma_wait3A_61 = tpu.memref_slice %arg7[%mul3A_54, %dma_wait3A_60] : memref<128x128xf32, #tpu.memory_space<hbm>> -> memref<4x128xf32, #tpu.memory_space<hbm>>
      tpu.wait_dma2 semaphore(%run_scoped3A : memref<!tpu.dma_semaphore, #tpu.memory_space<semaphore_mem>>) src(%arg15 : memref<4x128xf32, #tpu.memory_space<vmem>>) dst(%dma_wait3A_61 : memref<4x128xf32, #tpu.memory_space<hbm>>)
      tpu.yield
    }) : () -> ()
    "tpu.region"() ({
      %run_scoped3A = tpu.sem_alloc : memref<!tpu.dma_semaphore, #tpu.memory_space<semaphore_mem>>
      %dma_start3A = arith.constant 0 : i32
      %dma_start3A_55 = tpu.memref_slice %arg8[%add3A, %dma_start3A] : memref<32x16xf32, #tpu.memory_space<hbm>> -> memref<1x16xf32, #tpu.memory_space<hbm>>
      %dma_start3A_56 = tpu.memref_squeeze %dma_start3A_55 : memref<1x16xf32, #tpu.memory_space<hbm>> -> memref<16xf32, #tpu.memory_space<hbm>>
      %dma_start3A_57 = arith.constant 0 : i32
      %dma_start3A_58 = tpu.memref_slice %arg8[%add3A, %dma_start3A_57] : memref<32x16xf32, #tpu.memory_space<hbm>> -> memref<1x16xf32, #tpu.memory_space<hbm>>
      %dma_start3A_59 = tpu.memref_squeeze %dma_start3A_58 : memref<1x16xf32, #tpu.memory_space<hbm>> -> memref<16xf32, #tpu.memory_space<hbm>>
      tpu.enqueue_dma source(%arg16 : memref<16xf32, #tpu.memory_space<vmem>>) target(%dma_start3A_59 : memref<16xf32, #tpu.memory_space<hbm>>) target_semaphore(%run_scoped3A : memref<!tpu.dma_semaphore, #tpu.memory_space<semaphore_mem>>)
      %dma_wait3A_60 = arith.constant 0 : i32
      %dma_wait3A_61 = tpu.memref_slice %arg8[%add3A, %dma_wait3A_60] : memref<32x16xf32, #tpu.memory_space<hbm>> -> memref<1x16xf32, #tpu.memory_space<hbm>>
      %dma_wait3A_62 = tpu.memref_squeeze %dma_wait3A_61 : memref<1x16xf32, #tpu.memory_space<hbm>> -> memref<16xf32, #tpu.memory_space<hbm>>
      %dma_wait3A_63 = arith.constant 0 : i32
      %dma_wait3A_64 = tpu.memref_slice %arg8[%add3A, %dma_wait3A_63] : memref<32x16xf32, #tpu.memory_space<hbm>> -> memref<1x16xf32, #tpu.memory_space<hbm>>
      %dma_wait3A_65 = tpu.memref_squeeze %dma_wait3A_64 : memref<1x16xf32, #tpu.memory_space<hbm>> -> memref<16xf32, #tpu.memory_space<hbm>>
      tpu.wait_dma2 semaphore(%run_scoped3A : memref<!tpu.dma_semaphore, #tpu.memory_space<semaphore_mem>>) src(%arg16 : memref<16xf32, #tpu.memory_space<vmem>>) dst(%dma_wait3A_65 : memref<16xf32, #tpu.memory_space<hbm>>)
      tpu.yield
    }) : () -> ()
    return
  }
}

module attributes {stable_mosaic.version = 14 : i64} {
  func.func @_tc_finish(%arg0: memref<128x128xf32, #tpu.memory_space<vmem>>, %arg1: memref<4x128xf32, #tpu.memory_space<vmem>>, %arg2: memref<1x1xf32, #tpu.memory_space<smem>>, %arg3: memref<1x1xf32, #tpu.memory_space<smem>>) attributes {dimension_semantics = [], scalar_prefetch = 0 : i64, scratch_operands = 0 : i64, tpu.core_type = #tpu.core_type<tc>} {
    %get3A = arith.constant 0 : index
    %get3A_0 = arith.constant 0 : index
    %get3A_1 = vector.load %arg0[%get3A, %get3A_0] : memref<128x128xf32, #tpu.memory_space<vmem>>, vector<128x128xf32>
    %neg3A = arith.constant 0.000000e+00 : f32
    %neg3A_2 = vector.broadcast %neg3A : f32 to vector<128x128xf32>
    %neg3A_3 = arith.subf %neg3A_2, %get3A_1 : vector<128x128xf32>
    %max3A = arith.constant 0.000000e+00 : f32
    %max3A_4 = vector.broadcast %max3A : f32 to vector<128x128xf32>
    %max3A_5 = arith.maximumf %neg3A_3, %max3A_4 : vector<128x128xf32>
    %abs3A = math.absf %get3A_1 : vector<128x128xf32>
    %neg3A_6 = arith.constant 0.000000e+00 : f32
    %neg3A_7 = vector.broadcast %neg3A_6 : f32 to vector<128x128xf32>
    %neg3A_8 = arith.subf %neg3A_7, %abs3A : vector<128x128xf32>
    %exp3A = math.exp %neg3A_8 : vector<128x128xf32>
    %log1p3A = math.log1p %exp3A : vector<128x128xf32>
    %add3A = arith.addf %max3A_5, %log1p3A : vector<128x128xf32>
    %reduce_sum3A = vector.shape_cast %add3A : vector<128x128xf32> to vector<1x128x128xf32>
    %reduce_sum3A_9 = arith.constant dense<0.000000e+00> : vector<1xf32>
    %reduce_sum3A_10 = vector.multi_reduction <add>, %reduce_sum3A, %reduce_sum3A_9 [1, 2] : vector<1x128x128xf32> to vector<1xf32>
    %reduce_sum3A_11 = vector.shape_cast %reduce_sum3A_10 : vector<1xf32> to vector<1x1x1xf32>
    %reduce_sum3A_12 = vector.extract %reduce_sum3A_11[0, 0, 0] : f32 from vector<1x1x1xf32>
    %mul3A = arith.constant 6.10351563E-5 : f32
    %mul3A_13 = arith.mulf %reduce_sum3A_12, %mul3A : f32
    %swap3A = arith.constant 0 : index
    %swap3A_14 = arith.constant 0 : index
    %swap3A_15 = memref.load %arg2[%swap3A, %swap3A_14] : memref<1x1xf32, #tpu.memory_space<smem>>
    memref.store %mul3A_13, %arg2[%swap3A, %swap3A_14] : memref<1x1xf32, #tpu.memory_space<smem>>
    %get3A_16 = arith.constant 0 : index
    %get3A_17 = arith.constant 0 : index
    %get3A_18 = vector.load %arg1[%get3A_16, %get3A_17] : memref<4x128xf32, #tpu.memory_space<vmem>>, vector<4x128xf32>
    %reduce_sum3A_19 = vector.shape_cast %get3A_18 : vector<4x128xf32> to vector<1x4x128xf32>
    %reduce_sum3A_20 = arith.constant dense<0.000000e+00> : vector<1xf32>
    %reduce_sum3A_21 = vector.multi_reduction <add>, %reduce_sum3A_19, %reduce_sum3A_20 [1, 2] : vector<1x4x128xf32> to vector<1xf32>
    %reduce_sum3A_22 = vector.shape_cast %reduce_sum3A_21 : vector<1xf32> to vector<1x1x1xf32>
    %reduce_sum3A_23 = vector.extract %reduce_sum3A_22[0, 0, 0] : f32 from vector<1x1x1xf32>
    %mul3A_24 = arith.constant 3.05175774E-9 : f32
    %mul3A_25 = arith.mulf %reduce_sum3A_23, %mul3A_24 : f32
    %swap3A_26 = arith.constant 0 : index
    %swap3A_27 = arith.constant 0 : index
    %swap3A_28 = memref.load %arg3[%swap3A_26, %swap3A_27] : memref<1x1xf32, #tpu.memory_space<smem>>
    memref.store %mul3A_25, %arg3[%swap3A_26, %swap3A_27] : memref<1x1xf32, #tpu.memory_space<smem>>
    return
  }
}

</mosaic_0001>

<sc_bundles>
// kernel: kernel.4.cloned.1.call-start
scs
__scs_entry_jumppad:
0x0: {  	(pc) =	sbr.rel $0x88, $3  }
0x1: {  	(tag) =	ssettag $0x0;
	lr =	simm.s32 $0x1  }
0x2: {  	[smem:$0x3F9C] =	sst lr;
	_ =	strace $0xD0000000  }
0x3: {  	_ = 	snop  }
0x4: {  	_ = 	snop  }
0x5: {  	_ = 	snop  }
0x6: {  	_ = 	snop  }
0x7: {  	_ = 	snop  }
__scs_overlays_trampoline_lowered:
0x8: {  	[smem:$0x3FAB] =	sst s0  }
0x9: {  	[smem:$0x3FAC] =	sst s1  }
0xa: {  	[smem:$0x3FAD] =	sst s2  }
0xb: {  	[smem:$0x3FAE] =	sst s3  }
0xc: {  	[smem:$0x3FAF] =	sst s4  }
0xd: {  	[smem:$0x3FB0] =	sst s5  }
0xe: {  	[smem:$0x3FB1] =	sst s6  }
0xf: {  	[smem:$0x3FB2] =	sst s7  }
0x10: {  	[smem:$0x3FB3] =	sst s8  }
0x11: {  	[smem:$0x3FB4] =	sst s9;
	s0 =	simm.s32 @!p0 $0x0  }
0x12: {  	s1 =	sld [smem:$0x3F9A];
	s0 =	simm.s32 @p0 $0x1  }
0x13: {  	[smem:$0x3FB5] =	sst s0;
	s0 =	simm.s32 @!p1 $0x0  }
0x14: {  	s2 =	sld [smem:$0x3F99];
	s0 =	simm.s32 @p1 $0x1  }
0x15: {  	[smem:$0x3FB6] =	sst s0;
	s0 =	simm.s32 @!p2 $0x0  }
0x16: {  	s3 =	sld [smem:$0x3FDB];
	s0 =	simm.s32 @p2 $0x1  }
0x17: {  	s4 =	simm.s32 $0x1BF5;
	[smem:$0x3FB8] =	sst s0  }
0x18: {  	s0 =	sld [smem:$0x3F9B];
	_ =	swait.ge [sflag:s4], $0x0  }
0x19: {  	s7 =	sld [smem:$0x3F9C]  }
0x1a: {  	s8 =	sadd.s32 $0xFFFFE003, lr  }
0x1b: {  	s9 =	sadd.s32 $0xFFFFFEF7, lr;
	s5 =	simm.s32 $0xFFFFFFFF;
	p2 =	slt.u32 s8, $0xFFFFF086  }
0x1c: {  	p1 =	slt.u32 s9, $0xF7A;
	s5 =	simm.s32 @!p2 $0x0  }
0x1d: {  	s5 =	simm.s32 @p1 $0x1;
	p0 =	seq.s32 s7, s2  }
0x1e: {  	s7 =	smul.u32 @!p0 $0xF7A, s2;
	p2 =	seq.s32 @!p0 s5, $0x0  }
0x1f: {  	s9 =	smul.u32 $0xF7A, s1;
	s8 =	simm.s32 @!p0 $0x1BF5;
	p2 =	por !p2, p0  }
0x20: {  	[sflag:s8] =	ssyncset.s32 @!p0 $0xFFFFF086;
	s6 =	sadd.s32 @!p0 s3, s7;
	s7 =	simm.s32 @!p0 $0x108  }
0x21: {  	s3 =	sadd.s32 s3, s9;
	s6 =	sadd.s32 @!p0 $0x88, s6;
	s7 =	simm.s32 @p2 $0x1082  }
0x22: {  	[simem:s7], [sflag:s8] =	dma.local @!p0 [hbm:s6], $0xF7A  }
0x23: {  	s9 =	sor.u32 $0xD0000000, s2;
	s6 =	simm.s32 $0x108;
	_ =	swait.ge @!p0 [sflag:s8], $0x0  }
0x24: {  	s3 =	sadd.s32 $0x88, s3;
	s6 =	simm.s32 @!p1 $0x1082;
	[sflag:s4] =	ssyncset.s32 $0xFFFFF086  }
0x25: {  	[simem:s6], [sflag:s4] =	dma.local [hbm:s3], $0xF7A  }
0x26: {  	[smem:$0x3F9C] =	sst s1;
	(tag) =	ssettag s2;
	_ =	strace s9  }
0x27: {  	s1 =	sld [smem:$0x3FAC]  }
0x28: {  	s2 =	sld [smem:$0x3FAD]  }
0x29: {  	s4 =	sld [smem:$0x3FAF]  }
0x2a: {  	p0 =	seq.s32 s5, $0x0;
	s5 =	sld [smem:$0x3FB0]  }
0x2b: {  	s6 =	sld [smem:$0x3FB1]  }
0x2c: {  	s7 =	sld [smem:$0x3FB2]  }
0x2d: {  	s3 =	simm.s32 $0x108;
	s8 =	sld [smem:$0x3FB3]  }
0x2e: {  	s3 =	simm.s32 @!p0 $0x1082;
	s9 =	sld [smem:$0x3FB4]  }
0x2f: {  	lr =	sadd.s32 s0, s3;
	s0 =	sld [smem:$0x3FAB]  }
0x30: {  	s3 =	sld [smem:$0x3FAE]  }
0x31: {  	[smem:$0x3FB7] =	sst s10  }
0x32: {  	s10 =	sld [smem:$0x3FB5];
	_ =	sdelay $0x3  }
0x33: {  	p0 =	seq.s32 s10, $0x1;
	s10 =	sld [smem:$0x3FB7];
	_ =	sdelay $0x3  }
0x34: {  	[smem:$0x3FB7] =	sst s10  }
0x35: {  	s10 =	sld [smem:$0x3FB6];
	_ =	sdelay $0x3  }
0x36: {  	p1 =	seq.s32 s10, $0x1;
	s10 =	sld [smem:$0x3FB7];
	_ =	sdelay $0x3  }
0x37: {  	[smem:$0x3FB7] =	sst s10  }
0x38: {  	s10 =	sld [smem:$0x3FB8]  }
0x39: {  	_ = 	snop;
	(pc) =	sbr.ind lr, $3  }
0x3a: {  	_ = 	snop  }
0x3b: {  	_ = 	snop  }
0x3c: {  	p2 =	seq.s32 s10, $0x1;
	s10 =	sld [smem:$0x3FB7]  }
0x3d: {  	_ =	shalt  }
0x3e: {  	_ =	shalt  }
0x3f: {  	_ =	shalt  }
0x40: {  	_ =	shalt  }
0x41: {  	_ =	shalt  }
0x42: {  	_ =	shalt  }
0x43: {  	_ =	shalt  }
0x44: {  	_ =	shalt  }
0x45: {  	_ =	shalt  }
0x46: {  	_ =	shalt  }
0x47: {  	_ =	shalt  }
0x48: {  	_ =	shalt  }
0x49: {  	_ =	shalt  }
0x4a: {  	_ =	shalt  }
0x4b: {  	_ =	shalt  }
0x4c: {  	_ =	shalt  }
0x4d: {  	_ =	shalt  }
0x4e: {  	_ =	shalt  }
0x4f: {  	_ =	shalt  }
0x50: {  	_ =	shalt  }
0x51: {  	_ =	shalt  }
0x52: {  	_ =	shalt  }
0x53: {  	_ =	shalt  }
0x54: {  	_ =	shalt  }
0x55: {  	_ =	shalt  }
0x56: {  	_ =	shalt  }
0x57: {  	_ =	shalt  }
0x58: {  	_ =	shalt  }
0x59: {  	_ =	shalt  }
0x5a: {  	_ =	shalt  }
0x5b: {  	_ =	shalt  }
0x5c: {  	_ =	shalt  }
0x5d: {  	_ =	shalt  }
0x5e: {  	_ =	shalt  }
0x5f: {  	_ =	shalt  }
0x60: {  	_ =	shalt  }
0x61: {  	_ =	shalt  }
0x62: {  	_ =	shalt  }
0x63: {  	_ =	shalt  }
0x64: {  	_ =	shalt  }
0x65: {  	_ =	shalt  }
0x66: {  	_ =	shalt  }
0x67: {  	_ =	shalt  }
0x68: {  	_ =	shalt  }
0x69: {  	_ =	shalt  }
0x6a: {  	_ =	shalt  }
0x6b: {  	_ =	shalt  }
0x6c: {  	_ =	shalt  }
0x6d: {  	_ =	shalt  }
0x6e: {  	_ =	shalt  }
0x6f: {  	_ =	shalt  }
0x70: {  	_ =	shalt  }
0x71: {  	_ =	shalt  }
0x72: {  	_ =	shalt  }
0x73: {  	_ =	shalt  }
0x74: {  	_ =	shalt  }
0x75: {  	_ =	shalt  }
0x76: {  	_ =	shalt  }
0x77: {  	_ =	shalt  }
0x78: {  	_ =	shalt  }
0x79: {  	_ =	shalt  }
0x7a: {  	_ =	shalt  }
0x7b: {  	_ =	shalt  }
0x7c: {  	_ =	shalt  }
0x7d: {  	_ =	shalt  }
0x7e: {  	_ =	shalt  }
0x7f: {  	_ =	shalt  }
0x80: {  	_ =	shalt  }
0x81: {  	_ =	shalt  }
0x82: {  	_ =	shalt  }
0x83: {  	_ =	shalt  }
0x84: {  	_ =	shalt  }
0x85: {  	_ =	shalt  }
0x86: {  	_ =	shalt  }
0x87: {  	_ =	shalt  }
.Lfunc_end0:
.L_simem_size_0:
called_computation_lowered:
.L_overlay_start_0:
0x88: {  	s2 =	sld [smem:$0x3FD9]  }
0x89: {  	s3 =	sld [smem:$0x3FFE];
	_ =	sdelay $0x1  }
0x8a: {  	s1 =	srdreg.scid  }
0x8b: {  	s0 =	sand.u32 $0x1, s1  }
0x8c: {  	s17 =	sshll.u32 s0, $0xA;
	s2 =	sadd.s32 s3, s2  }
0x8d: {  	s2 =	sadd.s32 s2, s17  }
0x8e: {  	[smem:$0x3FC3] =	sst s2  }
0x8f: {  	_ = 	snop  }
0x90: {  	s2 =	sld [smem:$0x3FC9]  }
0x91: {  	s18 =	sld [smem:$0x3FC8]  }
0x92: {  	s4 =	sld [smem:$0x3FC7];
	(tm) =	ssettm $0x1  }
0x93: {  	s5 =	sld [smem:$0x3FFB];
	_ =	sdelay $0x3  }
0x94: {  	_ =	strace s5  }
0x95: {  	s5 =	sld [smem:$0x3FFC];
	_ =	sdelay $0x3  }
0x96: {  	_ =	strace s5  }
0x97: {  	s5 =	sld [smem:$0x3FFD];
	_ =	sdelay $0x3  }
0x98: {  	_ =	strace s5  }
0x99: {  	_ =	strace $0x8FFFFFFF  }
0x9a: {  	s19 =	sld [smem:$0x3FDB];
	_ =	sdelay $0x1  }
0x9b: {  	s6 =	simm.s32 $_scs_section_size  }
0x9c: {  	s7 =	simm.s32 $_size__tile_overlayer_lowered;
	s8 =	simm.s32 $_tile_overlayer_lowered  }
0x9d: {  	s22 =	simm.s32 $0x1BFF;
	s21 =	sshll.u32 s8, $0x1;
	s5 =	sadd.s32 s6, s19  }
0x9e: {  	s9 =	simm.s32 $0x0;
	s20 =	sshll.u32 s7, $0x1;
	s7 =	sadd.s32 s21, s5  }
0x9f: {  	[timem:s9], [sflag:s22] =	dma.local [hbm:s7], s20  }
0xa0: {  	_ =	swait.ge [sflag:s22], s20  }
0xa1: {  	s6 =	ssub.s32 $0x0, s20;
	[sflag:s22] =	ssyncset.done $0x0  }
0xa2: {  	[sflag:s22] =	ssyncadd.s32 s6;
	_ =	sdelay $0x1  }
0xa3: {  	s23 =	simm.s32 $0x1B8B  }
0xa4: {  	_ =	swait.ge [sflag:s23], $0x1  }
0xa5: {  	[sflag:s23] =	ssyncset.done $0x0  }
0xa6: {  	s25 =	simm.s32 $0x1B8E;
	s24 =	sld [smem:$0x3FFE];
	[sflag:s23] =	ssyncadd.s32 $0xFFFFFFFF  }
0xa7: {  	s26 =	simm.s32 $execute0_lowered;
	[smem:$0x3FD2] =	sst s25  }
0xa8: {  	s7 =	sshll.u32 s26, $0x1;
	_ =	strace $0x80000046;
	[dreg:$0x1] =	wrdreg $0xFFFFFFFF  }
0xa9: {  	s28 =	simm.s32 $_size_execute0_lowered;
	s5 =	sadd.s32 s5, s7;
	[dreg:$0x0] =	wrdreg $0x0  }
0xaa: {  	s7 =	sshll.u32 s28, $0x1;
	[dreg:$0x2] =	wrdreg s5  }
0xab: {  	[dreg:$0x3] =	wrdreg s7  }
0xac: {  	[dreg:$0x4] =	wrdreg $0xC0  }
0xad: {  	_ =	task [dreg:s9], $0x5FFFF  }
0xae: {  	[dreg:$0x1] =	wrdreg $0xFFFFFFFF  }
0xaf: {  	[dreg:$0x0] =	wrdreg $0x60  }
0xb0: {  	[dreg:$0x2] =	wrdreg s2  }
0xb1: {  	[dreg:$0x3] =	wrdreg s18  }
0xb2: {  	[dreg:$0x4] =	wrdreg s4  }
0xb3: {  	[dreg:$0x5] =	wrdreg s24  }
0xb4: {  	[dreg:$0x6] =	wrdreg $0x9  }
0xb5: {  	_ =	task.clear_ibuf [dreg:s9], $0x7FFFF;
	_ =	strace $0x90000046  }
0xb6: {  	s29 =	simm.s32 $0x9;
	_ =	strace $0x80000048  }
0xb7: {  	_ =	swait.ge [sflag:s29], $0x1  }
0xb8: {  	[sflag:s29] =	ssyncadd.s32 $0xFFFFFFFF  }
0xb9: {  	_ =	strace $0x90000048  }
0xba: {  	_ =	sfence  }
0xbb: {  	s30 =	sld [smem:$0x0];
	_ =	sdelay $0x2  }
0xbc: {  	s31 =	sshll.u32 s1, $0xD;
	s1 =	sshrl.u32 s1, $0x2  }
0xbd: {  	s3 =	sand.u32 $0x4000, s31;
	s1 =	sadd.s32 s1, s30  }
0xbe: {  	s0 =	sor.u32 s3, s0;
	s1 =	sshll.u32 s1, $0x11  }
0xbf: {  	s0 =	sor.u32 s1, s0  }
0xc0: {  	s0 =	sadd.s32 $0x8F2B, s0  }
0xc1: {  	[sflag:s0] =	ssyncadd.remote.s32 $0x1  }
0xc2: {  	_ =	sfence.sel $0xFFFF  }
0xc3: {  	[dreg:$0x0] =	wrdreg $0xFFFFFFFF;
	(pc) =	sbr.abs _section_cstart, $3  }
0xc4: {  	[dreg:$0x1] =	wrdreg $0xFFFFFFFF  }
0xc5: {  	_ =	task.clear_ibuf [dreg:s9], $0x2FFFF;
	_ =	strace $0x9FFFFFFF  }
0xc6: {  	(tm) =	ssettm $0x7FFFFFFF  }
0xc7: {  	_ =	shalt  }
tec
execute0_lowered:
.L_overlay_start_1:
0x0: {  	(tag) =	ssettag $0x1  }
0x1: {  	s0 =	rddreg [dreg:$0x0]  }
0x2: {  	s2 =	rddreg [dreg:$0x1]  }
0x3: {  	s5 =	rddreg [dreg:$0x2]  }
0x4: {  	s6 =	rddreg [dreg:$0x3];
	s1 =	simm.s32 $0x0;
	s7 =	srdreg.scid  }
0x5: {  	s12 =	stileid.u32;
	s13 =	simm.s32 $0x400;
	s15 =	simm.s32 $0x600  }
0x6: {  	s16 =	simm.s32 $0x8600;
	s17 =	simm.s32 $0x10600;
	[smem:$0x7FF] =	sst s1  }
0x7: {  	s3 =	sadd.s32 $0xC00, s6;
	s4 =	sadd.s32 $0xF43000, s6;
	s7 =	sand.u32 $0x1, s7  }
0x8: {  	s8 =	sshll.u32 s12, $0x7;
	s28 =	sshll.u32 s12, $0x5;
	s9 =	sshll.u32 s7, $0x6  }
0x9: {  	_ =	strace $0x80000047;
	s10 =	ssub.s32 $0x2, s7;
	s8 =	sor.u32 s9, s8  }
0xa: {  	s7 =	sshll.u32 s7, $0x4;
	s24 =	sshrl.u32 s10, $0x1;
	s0 =	sadd.s32 s0, s8  }
0xb: {  	s11 =	sadd.s32 s8, s6;
	s26 =	sadd.s32 s2, s8;
	[dreg:$0x7] =	wrdreg s0  }
0xc: {  	s6 =	sadd.s32 s7, s6;
	s29 =	sadd.s32 s5, s8;
	[dreg:$0x8] =	wrdreg s26  }
0xd: {  	s25 =	ssub.s32 s10, s24;
	[dreg:$0x9] =	wrdreg s29;
	s30 =	sadd.s32 $0x1E85600, s11  }
0xe: {  	s0 =	sadd.s32 s28, s6;
	s31 =	smax.u32 s25, $0x1;
	[dreg:$0xa] =	wrdreg s30  }
0xf: {  	v0 =	vlaneseq.u32;
	s12 =	simm.s32 $0x80;
	s0 =	sadd.s32 $0x1E85400, s0;
	[dreg:$0xc] =	wrdreg s31  }
0x10: {  	v0 =	vmul.u32 $0x40, v0;
	s5 =	simm.s32 $0x2;
	s2 =	simm.s32 $0x0;
	[dreg:$0xb] =	wrdreg s0  }
.LBB2_1:
0x11: {  	[dreg:$0xd] =	wrdreg s2  }
0x12: {  	s0 =	rddreg [dreg:$0x7]  }
0x13: {  	[tilespmem:s1], [sflag:$0x2] =	stream.linear.gather [hbm4b:s0+s1], $0x200, $0x38;
	[tilespmem:$0x18880] =	vst v63  }
0x14: {  	_ =	swait.ge [sflag:s5], $0x200  }
0x15: {  	[sflag:s5] =	ssyncset.done $0x0  }
0x16: {  	s31 =	simm.s32 $0x200;
	s6 =	rddreg [dreg:$0x8];
	[sflag:s5] =	ssyncadd.s32 $0xFFFFFE00  }
0x17: {  	[tilespmem:s31], [sflag:$0x2] =	stream.linear.gather [hbm4b:s6+s1], $0x200, $0x38;
	[tilespmem:$0x18880] =	vst v63  }
0x18: {  	_ =	swait.ge [sflag:s5], $0x200  }
0x19: {  	[sflag:s5] =	ssyncset.done $0x0  }
0x1a: {  	s7 =	rddreg [dreg:$0x9];
	[sflag:s5] =	ssyncadd.s32 $0xFFFFFE00  }
0x1b: {  	[tilespmem:s13], [sflag:$0x2] =	stream.linear.gather [hbm4b:s7+s1], $0x200, $0x38;
	[tilespmem:$0x18880] =	vst v63  }
0x1c: {  	_ =	swait.ge [sflag:s5], $0x200  }
0x1d: {  	[sflag:s5] =	ssyncset.done $0x0  }
0x1e: {  	[sflag:s5] =	ssyncadd.s32 $0xFFFFFE00  }
0x1f: {  	v1 =	vld [tilespmem:s1+$0x0];
	_ =	sdelay $0x1  }
0x20: {  	v2 =	vld [tilespmem:s31+$0x0];
	_ =	sdelay $0x2  }
0x21: {  	v3 =	vshll.u32 v1, $0x4  }
0x22: {  	v4 =	vld [tilespmem:s13+$0x0];
	(v2sf) =	vpush v3, $0x0  }
0x23: {  	v1 =	vshll.u32 v2, $0x4  }
0x24: {  	(v2sf) =	vpush v1, $0x0;
	_ =	sdelay $0x1  }
0x25: {  	(v2sf) =	vpush v3, $0x1  }
0x26: {  	v2 =	vshll.u32 v4, $0x4  }
0x27: {  	(v2sf) =	vpush v2, $0x0;
	_ =	sdelay $0x5  }
0x28: {  	(v2sf) =	vpush v3, $0x2;
	_ =	sdelay $0x1  }
0x29: {  	(v2sf) =	vpush v1, $0x1  }
0x2a: {  	s8 =	spop (v2sf)  }
0x2b: {  	s0 =	sand.u32 $0x1FFFFFF0, s8  }
0x2c: {  	s10 =	simm.s32 $0x600;
	s9 =	spop (v2sf);
	s0 =	sadd.s32 s3, s0  }
0x2d: {  	(v2sf) =	vpush v2, $0x1;
	[tilespmem:s10], [sflag:$0x1] =	stream.strided.gather [hbm4b:s0+s12], $0x0, s13, s12, $0x38;
	[tilespmem:$0x18880] =	vst v63  }
0x2e: {  	s2 =	sand.u32 $0x1FFFFFF0, s9;
	s6 =	spop (v2sf)  }
0x2f: {  	[tilespmem:s10], [sflag:$0x1] =	stream.linear.gather [hbm4b:s0+s1], $0x40, $0x38;
	[tilespmem:$0x18880] =	vst v63  }
0x30: {  	s11 =	simm.s32 $0x8600;
	s2 =	sadd.s32 s4, s2;
	s14 =	spop (v2sf)  }
0x31: {  	[tilespmem:s11], [sflag:$0x1] =	stream.strided.gather [hbm4b:s2+s12], $0x0, s13, s12, $0x38;
	[tilespmem:$0x18880] =	vst v63  }
0x32: {  	s5 =	sand.u32 $0x1FFFFFF0, s14  }
0x33: {  	[tilespmem:s11], [sflag:$0x1] =	stream.linear.gather [hbm4b:s2+s1], $0x40, $0x38;
	[tilespmem:$0x18880] =	vst v63  }
0x34: {  	s18 =	simm.s32 $0x10600;
	s19 =	sadd.s32 s4, s5  }
0x35: {  	[tilespmem:s18], [sflag:$0x1] =	stream.strided.gather [hbm4b:s19+s12], $0x0, s13, s12, $0x38;
	[tilespmem:$0x18880] =	vst v63  }
0x36: {  	s20 =	sand.u32 $0x1FFFFFF0, s6;
	s21 =	spop (v2sf)  }
0x37: {  	(v2sf) =	vpush v1, $0x2;
	[tilespmem:s18], [sflag:$0x1] =	stream.linear.gather [hbm4b:s19+s1], $0x40, $0x38;
	[tilespmem:$0x18880] =	vst v63  }
0x38: {  	s22 =	simm.s32 $0x640;
	s23 =	spop (v2sf);
	s5 =	sadd.s32 s3, s20  }
0x39: {  	(v2sf) =	vpush v2, $0x2;
	[tilespmem:s22], [sflag:$0x1] =	stream.strided.gather [hbm4b:s5+s12], $0x0, s13, s12, $0x38;
	[tilespmem:$0x18880] =	vst v63  }
0x3a: {  	s2 =	sand.u32 $0x1FFFFFF0, s23  }
0x3b: {  	[tilespmem:s22], [sflag:$0x1] =	stream.linear.gather [hbm4b:s5+s1], $0x40, $0x38;
	[tilespmem:$0x18880] =	vst v63  }
0x3c: {  	s25 =	simm.s32 $0x8640;
	(v2sf) =	vpush v3, $0x3;
	s2 =	sadd.s32 s4, s2;
	s24 =	spop (v2sf)  }
0x3d: {  	[tilespmem:s25], [sflag:$0x1] =	stream.strided.gather [hbm4b:s2+s12], $0x0, s13, s12, $0x38;
	[tilespmem:$0x18880] =	vst v63  }
0x3e: {  	(v2sf) =	vpush v1, $0x3;
	s0 =	sand.u32 $0x1FFFFFF0, s24  }
0x3f: {  	[tilespmem:s25], [sflag:$0x1] =	stream.linear.gather [hbm4b:s2+s1], $0x40, $0x38;
	[tilespmem:$0x18880] =	vst v63  }
0x40: {  	s26 =	simm.s32 $0x10640;
	s0 =	sadd.s32 s4, s0  }
0x41: {  	[tilespmem:s26], [sflag:$0x1] =	stream.strided.gather [hbm4b:s0+s12], $0x0, s13, s12, $0x38;
	[tilespmem:$0x18880] =	vst v63  }
0x42: {  	s29 =	sand.u32 $0x1FFFFFF0, s21  }
0x43: {  	[tilespmem:s26], [sflag:$0x1] =	stream.linear.gather [hbm4b:s0+s1], $0x40, $0x38;
	[tilespmem:$0x18880] =	vst v63  }
0x44: {  	s31 =	simm.s32 $0x680;
	s5 =	sadd.s32 s3, s29  }
0x45: {  	[tilespmem:s31], [sflag:$0x1] =	stream.strided.gather [hbm4b:s5+s12], $0x0, s13, s12, $0x38;
	[tilespmem:$0x18880] =	vst v63  }
0x46: {  	s30 =	spop (v2sf);
	(v2sf) =	vpush v2, $0x3  }
0x47: {  	[tilespmem:s31], [sflag:$0x1] =	stream.linear.gather [hbm4b:s5+s1], $0x40, $0x38;
	[tilespmem:$0x18880] =	vst v63  }
0x48: {  	s0 =	sand.u32 $0x1FFFFFF0, s30;
	s5 =	spop (v2sf);
	(v2sf) =	vpush v3, $0x4  }
0x49: {  	s6 =	simm.s32 $0x8680;
	s0 =	sadd.s32 s4, s0  }
0x4a: {  	(v2sf) =	vpush v1, $0x4;
	[tilespmem:s6], [sflag:$0x1] =	stream.strided.gather [hbm4b:s0+s12], $0x0, s13, s12, $0x38;
	[tilespmem:$0x18880] =	vst v63  }
0x4b: {  	s2 =	sand.u32 $0x1FFFFFF0, s5;
	s7 =	spop (v2sf)  }
0x4c: {  	[tilespmem:s6], [sflag:$0x1] =	stream.linear.gather [hbm4b:s0+s1], $0x40, $0x38;
	[tilespmem:$0x18880] =	vst v63  }
0x4d: {  	s8 =	simm.s32 $0x10680;
	s2 =	sadd.s32 s4, s2;
	s9 =	spop (v2sf)  }
0x4e: {  	(v2sf) =	vpush v2, $0x4;
	[tilespmem:s8], [sflag:$0x1] =	stream.strided.gather [hbm4b:s2+s12], $0x0, s13, s12, $0x38;
	[tilespmem:$0x18880] =	vst v63  }
0x4f: {  	s0 =	sand.u32 $0x1FFFFFF0, s7  }
0x50: {  	[tilespmem:s8], [sflag:$0x1] =	stream.linear.gather [hbm4b:s2+s1], $0x40, $0x38;
	[tilespmem:$0x18880] =	vst v63  }
0x51: {  	s10 =	simm.s32 $0x6C0;
	s0 =	sadd.s32 s3, s0  }
0x52: {  	[tilespmem:s10], [sflag:$0x1] =	stream.strided.gather [hbm4b:s0+s12], $0x0, s13, s12, $0x38;
	[tilespmem:$0x18880] =	vst v63  }
0x53: {  	s2 =	sand.u32 $0x1FFFFFF0, s9  }
0x54: {  	[tilespmem:s10], [sflag:$0x1] =	stream.linear.gather [hbm4b:s0+s1], $0x40, $0x38;
	[tilespmem:$0x18880] =	vst v63  }
0x55: {  	s14 =	simm.s32 $0x86C0;
	s11 =	spop (v2sf);
	s2 =	sadd.s32 s4, s2  }
0x56: {  	(v2sf) =	vpush v3, $0x5;
	[tilespmem:s14], [sflag:$0x1] =	stream.strided.gather [hbm4b:s2+s12], $0x0, s13, s12, $0x38;
	[tilespmem:$0x18880] =	vst v63  }
0x57: {  	s0 =	sand.u32 $0x1FFFFFF0, s11;
	s18 =	spop (v2sf)  }
0x58: {  	(v2sf) =	vpush v1, $0x5;
	[tilespmem:s14], [sflag:$0x1] =	stream.linear.gather [hbm4b:s2+s1], $0x40, $0x38;
	[tilespmem:$0x18880] =	vst v63  }
0x59: {  	s19 =	simm.s32 $0x106C0;
	s0 =	sadd.s32 s4, s0;
	s20 =	spop (v2sf)  }
0x5a: {  	(v2sf) =	vpush v2, $0x5;
	[tilespmem:s19], [sflag:$0x1] =	stream.strided.gather [hbm4b:s0+s12], $0x0, s13, s12, $0x38;
	[tilespmem:$0x18880] =	vst v63  }
0x5b: {  	s2 =	sand.u32 $0x1FFFFFF0, s18  }
0x5c: {  	[tilespmem:s19], [sflag:$0x1] =	stream.linear.gather [hbm4b:s0+s1], $0x40, $0x38;
	[tilespmem:$0x18880] =	vst v63  }
0x5d: {  	s21 =	simm.s32 $0x700;
	s2 =	sadd.s32 s3, s2;
	s22 =	spop (v2sf)  }
0x5e: {  	(v2sf) =	vpush v3, $0x6;
	[tilespmem:s21], [sflag:$0x1] =	stream.strided.gather [hbm4b:s2+s12], $0x0, s13, s12, $0x38;
	[tilespmem:$0x18880] =	vst v63  }
0x5f: {  	s0 =	sand.u32 $0x1FFFFFF0, s20  }
0x60: {  	[tilespmem:s21], [sflag:$0x1] =	stream.linear.gather [hbm4b:s2+s1], $0x40, $0x38;
	[tilespmem:$0x18880] =	vst v63  }
0x61: {  	s23 =	simm.s32 $0x8700;
	s0 =	sadd.s32 s4, s0  }
0x62: {  	[tilespmem:s23], [sflag:$0x1] =	stream.strided.gather [hbm4b:s0+s12], $0x0, s13, s12, $0x38;
	[tilespmem:$0x18880] =	vst v63  }
0x63: {  	s2 =	sand.u32 $0x1FFFFFF0, s22  }
0x64: {  	[tilespmem:s23], [sflag:$0x1] =	stream.linear.gather [hbm4b:s0+s1], $0x40, $0x38;
	[tilespmem:$0x18880] =	vst v63  }
0x65: {  	s25 =	simm.s32 $0x10700;
	s24 =	spop (v2sf);
	s2 =	sadd.s32 s4, s2  }
0x66: {  	(v2sf) =	vpush v1, $0x6;
	[tilespmem:s25], [sflag:$0x1] =	stream.strided.gather [hbm4b:s2+s12], $0x0, s13, s12, $0x38;
	[tilespmem:$0x18880] =	vst v63  }
0x67: {  	s0 =	sand.u32 $0x1FFFFFF0, s24;
	s26 =	spop (v2sf)  }
0x68: {  	(v2sf) =	vpush v2, $0x6;
	[tilespmem:s25], [sflag:$0x1] =	stream.linear.gather [hbm4b:s2+s1], $0x40, $0x38;
	[tilespmem:$0x18880] =	vst v63  }
0x69: {  	s29 =	simm.s32 $0x740;
	s0 =	sadd.s32 s3, s0;
	s30 =	spop (v2sf)  }
0x6a: {  	(v2sf) =	vpush v3, $0x7;
	[tilespmem:s29], [sflag:$0x1] =	stream.strided.gather [hbm4b:s0+s12], $0x0, s13, s12, $0x38;
	[tilespmem:$0x18880] =	vst v63  }
0x6b: {  	s2 =	sand.u32 $0x1FFFFFF0, s26  }
0x6c: {  	[tilespmem:s29], [sflag:$0x1] =	stream.linear.gather [hbm4b:s0+s1], $0x40, $0x38;
	[tilespmem:$0x18880] =	vst v63  }
0x6d: {  	s31 =	simm.s32 $0x8740;
	s5 =	spop (v2sf);
	s2 =	sadd.s32 s4, s2  }
0x6e: {  	(v2sf) =	vpush v1, $0x7;
	[tilespmem:s31], [sflag:$0x1] =	stream.strided.gather [hbm4b:s2+s12], $0x0, s13, s12, $0x38;
	[tilespmem:$0x18880] =	vst v63  }
0x6f: {  	s0 =	sand.u32 $0x1FFFFFF0, s30  }
0x70: {  	[tilespmem:s31], [sflag:$0x1] =	stream.linear.gather [hbm4b:s2+s1], $0x40, $0x38;
	[tilespmem:$0x18880] =	vst v63  }
0x71: {  	s6 =	simm.s32 $0x10740;
	s0 =	sadd.s32 s4, s0  }
0x72: {  	[tilespmem:s6], [sflag:$0x1] =	stream.strided.gather [hbm4b:s0+s12], $0x0, s13, s12, $0x38;
	[tilespmem:$0x18880] =	vst v63  }
0x73: {  	s2 =	sand.u32 $0x1FFFFFF0, s5  }
0x74: {  	[tilespmem:s6], [sflag:$0x1] =	stream.linear.gather [hbm4b:s0+s1], $0x40, $0x38;
	[tilespmem:$0x18880] =	vst v63  }
0x75: {  	s8 =	simm.s32 $0x780;
	s7 =	spop (v2sf);
	s2 =	sadd.s32 s3, s2  }
0x76: {  	(v2sf) =	vpush v2, $0x7;
	[tilespmem:s8], [sflag:$0x1] =	stream.strided.gather [hbm4b:s2+s12], $0x0, s13, s12, $0x38;
	[tilespmem:$0x18880] =	vst v63  }
0x77: {  	s0 =	sand.u32 $0x1FFFFFF0, s7;
	s9 =	spop (v2sf)  }
0x78: {  	(v2sf) =	vpush v3, $0x8;
	[tilespmem:s8], [sflag:$0x1] =	stream.linear.gather [hbm4b:s2+s1], $0x40, $0x38;
	[tilespmem:$0x18880] =	vst v63  }
0x79: {  	s10 =	simm.s32 $0x8780;
	s0 =	sadd.s32 s4, s0;
	s11 =	spop (v2sf)  }
0x7a: {  	(v2sf) =	vpush v1, $0x8;
	[tilespmem:s10], [sflag:$0x1] =	stream.strided.gather [hbm4b:s0+s12], $0x0, s13, s12, $0x38;
	[tilespmem:$0x18880] =	vst v63  }
0x7b: {  	s2 =	sand.u32 $0x1FFFFFF0, s9  }
0x7c: {  	[tilespmem:s10], [sflag:$0x1] =	stream.linear.gather [hbm4b:s0+s1], $0x40, $0x38;
	[tilespmem:$0x18880] =	vst v63  }
0x7d: {  	s14 =	simm.s32 $0x10780;
	s18 =	spop (v2sf);
	s2 =	sadd.s32 s4, s2  }
0x7e: {  	(v2sf) =	vpush v2, $0x8;
	[tilespmem:s14], [sflag:$0x1] =	stream.strided.gather [hbm4b:s2+s12], $0x0, s13, s12, $0x38;
	[tilespmem:$0x18880] =	vst v63  }
0x7f: {  	s0 =	sand.u32 $0x1FFFFFF0, s11  }
0x80: {  	[tilespmem:s14], [sflag:$0x1] =	stream.linear.gather [hbm4b:s2+s1], $0x40, $0x38;
	[tilespmem:$0x18880] =	vst v63  }
0x81: {  	s19 =	simm.s32 $0x7C0;
	s0 =	sadd.s32 s3, s0  }
0x82: {  	[tilespmem:s19], [sflag:$0x1] =	stream.strided.gather [hbm4b:s0+s12], $0x0, s13, s12, $0x38;
	[tilespmem:$0x18880] =	vst v63  }
0x83: {  	s2 =	sand.u32 $0x1FFFFFF0, s18  }
0x84: {  	[tilespmem:s19], [sflag:$0x1] =	stream.linear.gather [hbm4b:s0+s1], $0x40, $0x38;
	[tilespmem:$0x18880] =	vst v63  }
0x85: {  	s21 =	simm.s32 $0x87C0;
	s20 =	spop (v2sf);
	s2 =	sadd.s32 s4, s2  }
0x86: {  	(v2sf) =	vpush v3, $0x9;
	[tilespmem:s21], [sflag:$0x1] =	stream.strided.gather [hbm4b:s2+s12], $0x0, s13, s12, $0x38;
	[tilespmem:$0x18880] =	vst v63  }
0x87: {  	s0 =	sand.u32 $0x1FFFFFF0, s20;
	s22 =	spop (v2sf)  }
0x88: {  	(v2sf) =	vpush v1, $0x9;
	[tilespmem:s21], [sflag:$0x1] =	stream.linear.gather [hbm4b:s2+s1], $0x40, $0x38;
	[tilespmem:$0x18880] =	vst v63  }
0x89: {  	s23 =	simm.s32 $0x107C0;
	s0 =	sadd.s32 s4, s0;
	s24 =	spop (v2sf)  }
0x8a: {  	(v2sf) =	vpush v2, $0x9;
	[tilespmem:s23], [sflag:$0x1] =	stream.strided.gather [hbm4b:s0+s12], $0x0, s13, s12, $0x38;
	[tilespmem:$0x18880] =	vst v63  }
0x8b: {  	s2 =	sand.u32 $0x1FFFFFF0, s22  }
0x8c: {  	[tilespmem:s23], [sflag:$0x1] =	stream.linear.gather [hbm4b:s0+s1], $0x40, $0x38;
	[tilespmem:$0x18880] =	vst v63  }
0x8d: {  	s25 =	simm.s32 $0x800;
	s26 =	spop (v2sf);
	s2 =	sadd.s32 s3, s2  }
0x8e: {  	(v2sf) =	vpush v3, $0xA;
	[tilespmem:s25], [sflag:$0x1] =	stream.strided.gather [hbm4b:s2+s12], $0x0, s13, s12, $0x38;
	[tilespmem:$0x18880] =	vst v63  }
0x8f: {  	s0 =	sand.u32 $0x1FFFFFF0, s24  }
0x90: {  	[tilespmem:s25], [sflag:$0x1] =	stream.linear.gather [hbm4b:s2+s1], $0x40, $0x38;
	[tilespmem:$0x18880] =	vst v63  }
0x91: {  	s29 =	simm.s32 $0x8800;
	s0 =	sadd.s32 s4, s0  }
0x92: {  	[tilespmem:s29], [sflag:$0x1] =	stream.strided.gather [hbm4b:s0+s12], $0x0, s13, s12, $0x38;
	[tilespmem:$0x18880] =	vst v63  }
0x93: {  	s2 =	sand.u32 $0x1FFFFFF0, s26  }
0x94: {  	[tilespmem:s29], [sflag:$0x1] =	stream.linear.gather [hbm4b:s0+s1], $0x40, $0x38;
	[tilespmem:$0x18880] =	vst v63  }
0x95: {  	s31 =	simm.s32 $0x10800;
	s30 =	spop (v2sf);
	s2 =	sadd.s32 s4, s2  }
0x96: {  	(v2sf) =	vpush v1, $0xA;
	[tilespmem:s31], [sflag:$0x1] =	stream.strided.gather [hbm4b:s2+s12], $0x0, s13, s12, $0x38;
	[tilespmem:$0x18880] =	vst v63  }
0x97: {  	s5 =	spop (v2sf);
	s0 =	sand.u32 $0x1FFFFFF0, s30  }
0x98: {  	(v2sf) =	vpush v2, $0xA;
	[tilespmem:s31], [sflag:$0x1] =	stream.linear.gather [hbm4b:s2+s1], $0x40, $0x38;
	[tilespmem:$0x18880] =	vst v63  }
0x99: {  	s6 =	simm.s32 $0x840;
	s7 =	spop (v2sf);
	s0 =	sadd.s32 s3, s0  }
0x9a: {  	(v2sf) =	vpush v3, $0xB;
	[tilespmem:s6], [sflag:$0x1] =	stream.strided.gather [hbm4b:s0+s12], $0x0, s13, s12, $0x38;
	[tilespmem:$0x18880] =	vst v63  }
0x9b: {  	s2 =	sand.u32 $0x1FFFFFF0, s5  }
0x9c: {  	[tilespmem:s6], [sflag:$0x1] =	stream.linear.gather [hbm4b:s0+s1], $0x40, $0x38;
	[tilespmem:$0x18880] =	vst v63  }
0x9d: {  	s8 =	simm.s32 $0x8840;
	s9 =	spop (v2sf);
	s2 =	sadd.s32 s4, s2  }
0x9e: {  	(v2sf) =	vpush v1, $0xB;
	[tilespmem:s8], [sflag:$0x1] =	stream.strided.gather [hbm4b:s2+s12], $0x0, s13, s12, $0x38;
	[tilespmem:$0x18880] =	vst v63  }
0x9f: {  	s0 =	sand.u32 $0x1FFFFFF0, s7  }
0xa0: {  	[tilespmem:s8], [sflag:$0x1] =	stream.linear.gather [hbm4b:s2+s1], $0x40, $0x38;
	[tilespmem:$0x18880] =	vst v63  }
0xa1: {  	s10 =	simm.s32 $0x10840;
	s0 =	sadd.s32 s4, s0  }
0xa2: {  	[tilespmem:s10], [sflag:$0x1] =	stream.strided.gather [hbm4b:s0+s12], $0x0, s13, s12, $0x38;
	[tilespmem:$0x18880] =	vst v63  }
0xa3: {  	s2 =	sand.u32 $0x1FFFFFF0, s9  }
0xa4: {  	[tilespmem:s10], [sflag:$0x1] =	stream.linear.gather [hbm4b:s0+s1], $0x40, $0x38;
	[tilespmem:$0x18880] =	vst v63  }
0xa5: {  	s14 =	simm.s32 $0x880;
	s11 =	spop (v2sf);
	s2 =	sadd.s32 s3, s2  }
0xa6: {  	(v2sf) =	vpush v2, $0xB;
	[tilespmem:s14], [sflag:$0x1] =	stream.strided.gather [hbm4b:s2+s12], $0x0, s13, s12, $0x38;
	[tilespmem:$0x18880] =	vst v63  }
0xa7: {  	s18 =	spop (v2sf);
	s0 =	sand.u32 $0x1FFFFFF0, s11  }
0xa8: {  	(v2sf) =	vpush v3, $0xC;
	[tilespmem:s14], [sflag:$0x1] =	stream.linear.gather [hbm4b:s2+s1], $0x40, $0x38;
	[tilespmem:$0x18880] =	vst v63  }
0xa9: {  	s19 =	simm.s32 $0x8880;
	s20 =	spop (v2sf);
	s0 =	sadd.s32 s4, s0  }
0xaa: {  	(v2sf) =	vpush v1, $0xC;
	[tilespmem:s19], [sflag:$0x1] =	stream.strided.gather [hbm4b:s0+s12], $0x0, s13, s12, $0x38;
	[tilespmem:$0x18880] =	vst v63  }
0xab: {  	s2 =	sand.u32 $0x1FFFFFF0, s18  }
0xac: {  	[tilespmem:s19], [sflag:$0x1] =	stream.linear.gather [hbm4b:s0+s1], $0x40, $0x38;
	[tilespmem:$0x18880] =	vst v63  }
0xad: {  	s21 =	simm.s32 $0x10880;
	s22 =	spop (v2sf);
	s2 =	sadd.s32 s4, s2  }
0xae: {  	(v2sf) =	vpush v2, $0xC;
	[tilespmem:s21], [sflag:$0x1] =	stream.strided.gather [hbm4b:s2+s12], $0x0, s13, s12, $0x38;
	[tilespmem:$0x18880] =	vst v63  }
0xaf: {  	s0 =	sand.u32 $0x1FFFFFF0, s20  }
0xb0: {  	[tilespmem:s21], [sflag:$0x1] =	stream.linear.gather [hbm4b:s2+s1], $0x40, $0x38;
	[tilespmem:$0x18880] =	vst v63  }
0xb1: {  	s23 =	simm.s32 $0x8C0;
	s0 =	sadd.s32 s3, s0  }
0xb2: {  	[tilespmem:s23], [sflag:$0x1] =	stream.strided.gather [hbm4b:s0+s12], $0x0, s13, s12, $0x38;
	[tilespmem:$0x18880] =	vst v63  }
0xb3: {  	s2 =	sand.u32 $0x1FFFFFF0, s22  }
0xb4: {  	[tilespmem:s23], [sflag:$0x1] =	stream.linear.gather [hbm4b:s0+s1], $0x40, $0x38;
	[tilespmem:$0x18880] =	vst v63  }
0xb5: {  	s25 =	simm.s32 $0x88C0;
	s24 =	spop (v2sf);
	s2 =	sadd.s32 s4, s2  }
0xb6: {  	(v2sf) =	vpush v3, $0xD;
	[tilespmem:s25], [sflag:$0x1] =	stream.strided.gather [hbm4b:s2+s12], $0x0, s13, s12, $0x38;
	[tilespmem:$0x18880] =	vst v63  }
0xb7: {  	s26 =	spop (v2sf);
	s0 =	sand.u32 $0x1FFFFFF0, s24  }
0xb8: {  	(v2sf) =	vpush v1, $0xD;
	[tilespmem:s25], [sflag:$0x1] =	stream.linear.gather [hbm4b:s2+s1], $0x40, $0x38;
	[tilespmem:$0x18880] =	vst v63  }
0xb9: {  	s29 =	simm.s32 $0x108C0;
	s30 =	spop (v2sf);
	s0 =	sadd.s32 s4, s0  }
0xba: {  	(v2sf) =	vpush v2, $0xD;
	[tilespmem:s29], [sflag:$0x1] =	stream.strided.gather [hbm4b:s0+s12], $0x0, s13, s12, $0x38;
	[tilespmem:$0x18880] =	vst v63  }
0xbb: {  	s2 =	sand.u32 $0x1FFFFFF0, s26  }
0xbc: {  	[tilespmem:s29], [sflag:$0x1] =	stream.linear.gather [hbm4b:s0+s1], $0x40, $0x38;
	[tilespmem:$0x18880] =	vst v63  }
0xbd: {  	s31 =	simm.s32 $0x900;
	s5 =	spop (v2sf);
	s2 =	sadd.s32 s3, s2  }
0xbe: {  	(v2sf) =	vpush v3, $0xE;
	[tilespmem:s31], [sflag:$0x1] =	stream.strided.gather [hbm4b:s2+s12], $0x0, s13, s12, $0x38;
	[tilespmem:$0x18880] =	vst v63  }
0xbf: {  	s0 =	sand.u32 $0x1FFFFFF0, s30  }
0xc0: {  	[tilespmem:s31], [sflag:$0x1] =	stream.linear.gather [hbm4b:s2+s1], $0x40, $0x38;
	[tilespmem:$0x18880] =	vst v63  }
0xc1: {  	s6 =	simm.s32 $0x8900;
	s0 =	sadd.s32 s4, s0  }
0xc2: {  	[tilespmem:s6], [sflag:$0x1] =	stream.strided.gather [hbm4b:s0+s12], $0x0, s13, s12, $0x38;
	[tilespmem:$0x18880] =	vst v63  }
0xc3: {  	s2 =	sand.u32 $0x1FFFFFF0, s5  }
0xc4: {  	[tilespmem:s6], [sflag:$0x1] =	stream.linear.gather [hbm4b:s0+s1], $0x40, $0x38;
	[tilespmem:$0x18880] =	vst v63  }
0xc5: {  	s8 =	simm.s32 $0x10900;
	s7 =	spop (v2sf);
	s2 =	sadd.s32 s4, s2  }
0xc6: {  	(v2sf) =	vpush v1, $0xE;
	[tilespmem:s8], [sflag:$0x1] =	stream.strided.gather [hbm4b:s2+s12], $0x0, s13, s12, $0x38;
	[tilespmem:$0x18880] =	vst v63  }
0xc7: {  	s9 =	spop (v2sf);
	s0 =	sand.u32 $0x1FFFFFF0, s7  }
0xc8: {  	(v2sf) =	vpush v2, $0xE;
	[tilespmem:s8], [sflag:$0x1] =	stream.linear.gather [hbm4b:s2+s1], $0x40, $0x38;
	[tilespmem:$0x18880] =	vst v63  }
0xc9: {  	s10 =	simm.s32 $0x940;
	s11 =	spop (v2sf);
	s0 =	sadd.s32 s3, s0  }
0xca: {  	(v2sf) =	vpush v3, $0xF;
	[tilespmem:s10], [sflag:$0x1] =	stream.strided.gather [hbm4b:s0+s12], $0x0, s13, s12, $0x38;
	[tilespmem:$0x18880] =	vst v63  }
0xcb: {  	s2 =	sand.u32 $0x1FFFFFF0, s9  }
0xcc: {  	(v2sf) =	vpush v1, $0xF;
	[tilespmem:s10], [sflag:$0x1] =	stream.linear.gather [hbm4b:s0+s1], $0x40, $0x38;
	[tilespmem:$0x18880] =	vst v63  }
0xcd: {  	s14 =	simm.s32 $0x8940;
	s18 =	spop (v2sf);
	s2 =	sadd.s32 s4, s2  }
0xce: {  	(v2sf) =	vpush v2, $0xF;
	[tilespmem:s14], [sflag:$0x1] =	stream.strided.gather [hbm4b:s2+s12], $0x0, s13, s12, $0x38;
	[tilespmem:$0x18880] =	vst v63  }
0xcf: {  	s0 =	sand.u32 $0x1FFFFFF0, s11  }
0xd0: {  	[tilespmem:s14], [sflag:$0x1] =	stream.linear.gather [hbm4b:s2+s1], $0x40, $0x38;
	[tilespmem:$0x18880] =	vst v63  }
0xd1: {  	s19 =	simm.s32 $0x10940;
	s0 =	sadd.s32 s4, s0  }
0xd2: {  	[tilespmem:s19], [sflag:$0x1] =	stream.strided.gather [hbm4b:s0+s12], $0x0, s13, s12, $0x38;
	[tilespmem:$0x18880] =	vst v63  }
0xd3: {  	s2 =	sand.u32 $0x1FFFFFF0, s18  }
0xd4: {  	[tilespmem:s19], [sflag:$0x1] =	stream.linear.gather [hbm4b:s0+s1], $0x40, $0x38;
	[tilespmem:$0x18880] =	vst v63  }
0xd5: {  	s21 =	simm.s32 $0x980;
	s20 =	spop (v2sf);
	s2 =	sadd.s32 s3, s2  }
0xd6: {  	[tilespmem:s21], [sflag:$0x1] =	stream.strided.gather [hbm4b:s2+s12], $0x0, s13, s12, $0x38;
	[tilespmem:$0x18880] =	vst v63  }
0xd7: {  	s22 =	spop (v2sf);
	s0 =	sand.u32 $0x1FFFFFF0, s20  }
0xd8: {  	[tilespmem:s21], [sflag:$0x1] =	stream.linear.gather [hbm4b:s2+s1], $0x40, $0x38;
	[tilespmem:$0x18880] =	vst v63  }
0xd9: {  	s23 =	simm.s32 $0x8980;
	s24 =	spop (v2sf);
	s0 =	sadd.s32 s4, s0  }
0xda: {  	[tilespmem:s23], [sflag:$0x1] =	stream.strided.gather [hbm4b:s0+s12], $0x0, s13, s12, $0x38;
	[tilespmem:$0x18880] =	vst v63  }
0xdb: {  	s25 =	simm.s32 $0x10980;
	s26 =	spop (v2sf);
	s2 =	sand.u32 $0x1FFFFFF0, s22  }
0xdc: {  	[tilespmem:s23], [sflag:$0x1] =	stream.linear.gather [hbm4b:s0+s1], $0x40, $0x38;
	[tilespmem:$0x18880] =	vst v63  }
0xdd: {  	s29 =	simm.s32 $0x9C0;
	s30 =	spop (v2sf);
	s2 =	sadd.s32 s4, s2  }
0xde: {  	[tilespmem:s25], [sflag:$0x1] =	stream.strided.gather [hbm4b:s2+s12], $0x0, s13, s12, $0x38;
	[tilespmem:$0x18880] =	vst v63  }
0xdf: {  	s5 =	simm.s32 $0x10;
	s31 =	sand.u32 $0x1FFFFFF0, s30;
	s0 =	sand.u32 $0x1FFFFFF0, s24  }
0xe0: {  	[tilespmem:s25], [sflag:$0x1] =	stream.linear.gather [hbm4b:s2+s1], $0x40, $0x38;
	[tilespmem:$0x18880] =	vst v63  }
0xe1: {  	s6 =	simm.s32 $0x109C0;
	s28 =	sadd.s32 s4, s31;
	s0 =	sadd.s32 s3, s0  }
0xe2: {  	[tilespmem:s29], [sflag:$0x1] =	stream.strided.gather [hbm4b:s0+s12], $0x0, s13, s12, $0x38;
	[tilespmem:$0x18880] =	vst v63  }
0xe3: {  	s21 =	simm.s32 $0x1000;
	s23 =	simm.s32 $0x210;
	s2 =	sand.u32 $0x1FFFFFF0, s26  }
0xe4: {  	[tilespmem:s29], [sflag:$0x1] =	stream.linear.gather [hbm4b:s0+s1], $0x40, $0x38;
	[tilespmem:$0x18880] =	vst v63  }
0xe5: {  	s24 =	simm.s32 $0x410;
	s2 =	sadd.s32 s4, s2;
	s0 =	simm.s32 $0x89C0  }
0xe6: {  	[tilespmem:s0], [sflag:$0x1] =	stream.strided.gather [hbm4b:s2+s12], $0x0, s13, s12, $0x38;
	[tilespmem:$0x18880] =	vst v63  }
.LBB2_2:
0xe7: {  	[tilespmem:s0], [sflag:$0x1] =	stream.linear.gather [hbm4b:s2+s1], $0x40, $0x38;
	[tilespmem:$0x18880] =	vst v63  }
0xe8: {  	_ = 	snop  }
0xe9: {  	[tilespmem:s6], [sflag:$0x1] =	stream.strided.gather [hbm4b:s28+s12], $0x0, s13, s12, $0x38;
	[tilespmem:$0x18880] =	vst v63  }
0xea: {  	_ = 	snop  }
0xeb: {  	[tilespmem:s6], [sflag:$0x1] =	stream.linear.gather [hbm4b:s28+s1], $0x40, $0x38;
	[tilespmem:$0x18880] =	vst v63  }
0xec: {  	v1 =	vld [tilespmem:s5+$0x0];
	_ =	sdelay $0x1  }
0xed: {  	v2 =	vld [tilespmem:s23+$0x0];
	_ =	sdelay $0x2  }
0xee: {  	v3 =	vshll.u32 v1, $0x4  }
0xef: {  	v4 =	vld [tilespmem:s24+$0x0];
	(v2sf) =	vpush v3, $0x0  }
0xf0: {  	v2 =	vshll.u32 v2, $0x4  }
0xf1: {  	(v2sf) =	vpush v2, $0x0;
	_ =	sdelay $0x1  }
0xf2: {  	(v2sf) =	vpush v3, $0x1  }
0xf3: {  	v1 =	vshll.u32 v4, $0x4  }
0xf4: {  	(v2sf) =	vpush v1, $0x0;
	_ =	sdelay $0x1  }
0xf5: {  	(v2sf) =	vpush v3, $0x2;
	_ =	sdelay $0x1  }
0xf6: {  	(v2sf) =	vpush v2, $0x1;
	_ =	sdelay $0x1  }
0xf7: {  	(v2sf) =	vpush v1, $0x1;
	_ =	sdelay $0x1  }
0xf8: {  	(v2sf) =	vpush v2, $0x2  }
0xf9: {  	s18 =	smov.u32 s21;
	s19 =	spop (v2sf)  }
0xfa: {  	[dreg:$0x5] =	wrdreg s5;
	s26 =	sshra.s32 s18, $0x2;
	(v2sf) =	vpush v1, $0x2;
	s0 =	sand.u32 $0x1FFFFFF0, s19  }
0xfb: {  	s22 =	sadd.s32 $0x600, s26;
	s20 =	spop (v2sf);
	s0 =	sadd.s32 s3, s0  }
0xfc: {  	(v2sf) =	vpush v3, $0x3;
	[tilespmem:s22], [sflag:$0x1] =	stream.strided.gather [hbm4b:s0+s12], $0x0, s13, s12, $0x38;
	[tilespmem:$0x18880] =	vst v63  }
0xfd: {  	s7 =	sadd.s32 $0x109C0, s26;
	s5 =	sand.u32 $0x1FFFFFF0, s20;
	s25 =	spop (v2sf)  }
0xfe: {  	(v2sf) =	vpush v2, $0x3;
	[tilespmem:s22], [sflag:$0x1] =	stream.linear.gather [hbm4b:s0+s1], $0x40, $0x38;
	[tilespmem:$0x18880] =	vst v63  }
0xff: {  	s29 =	sadd.s32 $0x8600, s26;
	s5 =	sadd.s32 s4, s5;
	s30 =	spop (v2sf)  }
0x100: {  	(v2sf) =	vpush v1, $0x3;
	[tilespmem:s29], [sflag:$0x1] =	stream.strided.gather [hbm4b:s5+s12], $0x0, s13, s12, $0x38;
	[tilespmem:$0x18880] =	vst v63  }
0x101: {  	s9 =	sadd.s32 $0x10600, s26;
	s6 =	sand.u32 $0x1FFFFFF0, s30;
	s8 =	spop (v2sf)  }
0x102: {  	(v2sf) =	vpush v3, $0x4;
	[tilespmem:s29], [sflag:$0x1] =	stream.linear.gather [hbm4b:s5+s1], $0x40, $0x38;
	[tilespmem:$0x18880] =	vst v63  }
0x103: {  	[dreg:$0x6] =	wrdreg s7;
	s6 =	sadd.s32 s4, s6;
	s10 =	spop (v2sf)  }
0x104: {  	(v2sf) =	vpush v2, $0x4;
	[tilespmem:s9], [sflag:$0x1] =	stream.strided.gather [hbm4b:s6+s12], $0x0, s13, s12, $0x38;
	[tilespmem:$0x18880] =	vst v63  }
0x105: {  	s7 =	sand.u32 $0x1FFFFFF0, s25;
	s31 =	sand.u32 $0x1FFFFFF0, s10;
	s10 =	spop (v2sf)  }
0x106: {  	(v2sf) =	vpush v1, $0x4;
	[tilespmem:s9], [sflag:$0x1] =	stream.linear.gather [hbm4b:s6+s1], $0x40, $0x38;
	[tilespmem:$0x18880] =	vst v63  }
0x107: {  	s2 =	sadd.s32 $0x640, s26;
	s14 =	sadd.s32 s3, s7;
	s11 =	spop (v2sf)  }
0x108: {  	[tilespmem:s2], [sflag:$0x1] =	stream.strided.gather [hbm4b:s14+s12], $0x0, s13, s12, $0x38;
	[tilespmem:$0x18880] =	vst v63  }
0x109: {  	s20 =	sadd.s32 $0x8640, s26;
	s19 =	spop (v2sf)  }
0x10a: {  	(v2sf) =	vpush v3, $0x5;
	[tilespmem:s2], [sflag:$0x1] =	stream.linear.gather [hbm4b:s14+s1], $0x40, $0x38;
	[tilespmem:$0x18880] =	vst v63  }
0x10b: {  	s30 =	sadd.s32 $0x10640, s26;
	s25 =	sadd.s32 s4, s31;
	s22 =	spop (v2sf)  }
0x10c: {  	(v2sf) =	vpush v2, $0x5;
	[tilespmem:s20], [sflag:$0x1] =	stream.strided.gather [hbm4b:s25+s12], $0x0, s13, s12, $0x38;
	[tilespmem:$0x18880] =	vst v63  }
0x10d: {  	s5 =	sand.u32 $0x1FFFFFF0, s8;
	s8 =	sand.u32 $0x1FFFFFF0, s10;
	s29 =	spop (v2sf)  }
0x10e: {  	(v2sf) =	vpush v1, $0x5;
	[tilespmem:s20], [sflag:$0x1] =	stream.linear.gather [hbm4b:s25+s1], $0x40, $0x38;
	[tilespmem:$0x18880] =	vst v63  }
0x10f: {  	s9 =	sand.u32 $0x1FFFFFF0, s11;
	s11 =	sadd.s32 s4, s8;
	s31 =	spop (v2sf)  }
0x110: {  	(v2sf) =	vpush v3, $0x6;
	[tilespmem:s30], [sflag:$0x1] =	stream.strided.gather [hbm4b:s11+s12], $0x0, s13, s12, $0x38;
	[tilespmem:$0x18880] =	vst v63  }
0x111: {  	s18 =	sand.u32 $0x1FFFFFF0, s19;
	s19 =	sand.u32 $0x1FFFFFF0, s22;
	s14 =	spop (v2sf)  }
0x112: {  	(v2sf) =	vpush v2, $0x6;
	[tilespmem:s30], [sflag:$0x1] =	stream.linear.gather [hbm4b:s11+s1], $0x40, $0x38;
	[tilespmem:$0x18880] =	vst v63  }
0x113: {  	s22 =	spop (v2sf);
	s20 =	sadd.s32 $0x680, s26;
	s25 =	sadd.s32 s3, s5  }
0x114: {  	[tilespmem:s20], [sflag:$0x1] =	stream.strided.gather [hbm4b:s25+s12], $0x0, s13, s12, $0x38;
	[tilespmem:$0x18880] =	vst v63  }
0x115: {  	s0 =	sand.u32 $0x1FFFFFF0, s29;
	s29 =	spop (v2sf)  }
0x116: {  	(v2sf) =	vpush v1, $0x6;
	[tilespmem:s20], [sflag:$0x1] =	stream.linear.gather [hbm4b:s25+s1], $0x40, $0x38;
	[tilespmem:$0x18880] =	vst v63  }
0x117: {  	s28 =	sadd.s32 $0x8680, s26;
	s8 =	sand.u32 $0x1FFFFFF0, s31;
	s31 =	sadd.s32 s4, s9  }
0x118: {  	[tilespmem:s28], [sflag:$0x1] =	stream.strided.gather [hbm4b:s31+s12], $0x0, s13, s12, $0x38;
	[tilespmem:$0x18880] =	vst v63  }
0x119: {  	s18 =	sadd.s32 s4, s18;
	s2 =	sand.u32 $0x1FFFFFF0, s14;
	s30 =	spop (v2sf)  }
0x11a: {  	[tilespmem:s28], [sflag:$0x1] =	stream.linear.gather [hbm4b:s31+s1], $0x40, $0x38;
	[tilespmem:$0x18880] =	vst v63  }
0x11b: {  	s14 =	sadd.s32 $0x10680, s26;
	s5 =	sand.u32 $0x1FFFFFF0, s22;
	s11 =	spop (v2sf)  }
0x11c: {  	(v2sf) =	vpush v3, $0x7;
	[tilespmem:s14], [sflag:$0x1] =	stream.strided.gather [hbm4b:s18+s12], $0x0, s13, s12, $0x38;
	[tilespmem:$0x18880] =	vst v63  }
0x11d: {  	s22 =	sadd.s32 $0x6C0, s26;
	s7 =	sand.u32 $0x1FFFFFF0, s29;
	s29 =	spop (v2sf)  }
0x11e: {  	[tilespmem:s14], [sflag:$0x1] =	stream.linear.gather [hbm4b:s18+s1], $0x40, $0x38;
	[tilespmem:$0x18880] =	vst v63  }
0x11f: {  	s10 =	sand.u32 $0x1FFFFFF0, s30;
	s30 =	sadd.s32 s3, s19;
	s28 =	spop (v2sf)  }
0x120: {  	(v2sf) =	vpush v2, $0x7;
	[tilespmem:s22], [sflag:$0x1] =	stream.strided.gather [hbm4b:s30+s12], $0x0, s13, s12, $0x38;
	[tilespmem:$0x18880] =	vst v63  }
0x121: {  	s25 =	spop (v2sf)  }
0x122: {  	(v2sf) =	vpush v1, $0x7;
	[tilespmem:s22], [sflag:$0x1] =	stream.linear.gather [hbm4b:s30+s1], $0x40, $0x38;
	[tilespmem:$0x18880] =	vst v63  }
0x123: {  	s31 =	sadd.s32 $0x86C0, s26;
	s19 =	sand.u32 $0x1FFFFFF0, s28;
	s28 =	sadd.s32 s4, s0  }
0x124: {  	[tilespmem:s31], [sflag:$0x1] =	stream.strided.gather [hbm4b:s28+s12], $0x0, s13, s12, $0x38;
	[tilespmem:$0x18880] =	vst v63  }
0x125: {  	s9 =	sand.u32 $0x1FFFFFF0, s11;
	s11 =	spop (v2sf)  }
0x126: {  	(v2sf) =	vpush v3, $0x8;
	[tilespmem:s31], [sflag:$0x1] =	stream.linear.gather [hbm4b:s28+s1], $0x40, $0x38;
	[tilespmem:$0x18880] =	vst v63  }
0x127: {  	s14 =	sadd.s32 $0x106C0, s26;
	s22 =	sadd.s32 s4, s8  }
0x128: {  	[tilespmem:s14], [sflag:$0x1] =	stream.strided.gather [hbm4b:s22+s12], $0x0, s13, s12, $0x38;
	[tilespmem:$0x18880] =	vst v63  }
0x129: {  	s0 =	sand.u32 $0x1FFFFFF0, s25  }
0x12a: {  	[tilespmem:s14], [sflag:$0x1] =	stream.linear.gather [hbm4b:s22+s1], $0x40, $0x38;
	[tilespmem:$0x18880] =	vst v63  }
0x12b: {  	s25 =	spop (v2sf);
	s31 =	sadd.s32 $0x700, s26;
	s28 =	sadd.s32 s3, s2  }
0x12c: {  	(v2sf) =	vpush v2, $0x8;
	[tilespmem:s31], [sflag:$0x1] =	stream.strided.gather [hbm4b:s28+s12], $0x0, s13, s12, $0x38;
	[tilespmem:$0x18880] =	vst v63  }
0x12d: {  	s8 =	sand.u32 $0x1FFFFFF0, s11  }
0x12e: {  	(v2sf) =	vpush v1, $0x8;
	[tilespmem:s31], [sflag:$0x1] =	stream.linear.gather [hbm4b:s28+s1], $0x40, $0x38;
	[tilespmem:$0x18880] =	vst v63  }
0x12f: {  	s11 =	spop (v2sf);
	s14 =	sadd.s32 $0x8700, s26;
	s22 =	sadd.s32 s4, s5  }
0x130: {  	(v2sf) =	vpush v3, $0x9;
	[tilespmem:s14], [sflag:$0x1] =	stream.strided.gather [hbm4b:s22+s12], $0x0, s13, s12, $0x38;
	[tilespmem:$0x18880] =	vst v63  }
0x131: {  	s2 =	sand.u32 $0x1FFFFFF0, s25;
	s25 =	spop (v2sf)  }
0x132: {  	(v2sf) =	vpush v2, $0x9;
	[tilespmem:s14], [sflag:$0x1] =	stream.linear.gather [hbm4b:s22+s1], $0x40, $0x38;
	[tilespmem:$0x18880] =	vst v63  }
0x133: {  	s31 =	sadd.s32 $0x10700, s26;
	s28 =	sadd.s32 s4, s7  }
0x134: {  	(v2sf) =	vpush v1, $0x9;
	[tilespmem:s31], [sflag:$0x1] =	stream.strided.gather [hbm4b:s28+s12], $0x0, s13, s12, $0x38;
	[tilespmem:$0x18880] =	vst v63  }
0x135: {  	s5 =	sand.u32 $0x1FFFFFF0, s11;
	s11 =	spop (v2sf)  }
0x136: {  	(v2sf) =	vpush v3, $0xA;
	[tilespmem:s31], [sflag:$0x1] =	stream.linear.gather [hbm4b:s28+s1], $0x40, $0x38;
	[tilespmem:$0x18880] =	vst v63  }
0x137: {  	s10 =	sadd.s32 s3, s10;
	s14 =	sadd.s32 $0x740, s26  }
0x138: {  	[tilespmem:s14], [sflag:$0x1] =	stream.strided.gather [hbm4b:s10+s12], $0x0, s13, s12, $0x38;
	[tilespmem:$0x18880] =	vst v63  }
0x139: {  	s6 =	sand.u32 $0x1FFFFFF0, s29;
	s7 =	sand.u32 $0x1FFFFFF0, s25  }
0x13a: {  	[tilespmem:s14], [sflag:$0x1] =	stream.linear.gather [hbm4b:s10+s1], $0x40, $0x38;
	[tilespmem:$0x18880] =	vst v63  }
0x13b: {  	s25 =	sadd.s32 s4, s9;
	s22 =	spop (v2sf);
	s28 =	sadd.s32 $0x8740, s26  }
0x13c: {  	(v2sf) =	vpush v2, $0xA;
	[tilespmem:s28], [sflag:$0x1] =	stream.strided.gather [hbm4b:s25+s12], $0x0, s13, s12, $0x38;
	[tilespmem:$0x18880] =	vst v63  }
0x13d: {  	s18 =	sand.u32 $0x1FFFFFF0, s11;
	s11 =	spop (v2sf);
	s20 =	sand.u32 $0x1FFFFFF0, s22  }
0x13e: {  	(v2sf) =	vpush v1, $0xA;
	[tilespmem:s28], [sflag:$0x1] =	stream.linear.gather [hbm4b:s25+s1], $0x40, $0x38;
	[tilespmem:$0x18880] =	vst v63  }
0x13f: {  	s22 =	sadd.s32 $0x10740, s26;
	s31 =	sadd.s32 s4, s6;
	s14 =	spop (v2sf)  }
0x140: {  	(v2sf) =	vpush v3, $0xB;
	[tilespmem:s22], [sflag:$0x1] =	stream.strided.gather [hbm4b:s31+s12], $0x0, s13, s12, $0x38;
	[tilespmem:$0x18880] =	vst v63  }
0x141: {  	s10 =	sand.u32 $0x1FFFFFF0, s11;
	s6 =	spop (v2sf)  }
0x142: {  	[tilespmem:s22], [sflag:$0x1] =	stream.linear.gather [hbm4b:s31+s1], $0x40, $0x38;
	[tilespmem:$0x18880] =	vst v63  }
0x143: {  	s11 =	spop (v2sf);
	s28 =	sadd.s32 $0x780, s26;
	s25 =	sadd.s32 s3, s19  }
0x144: {  	(v2sf) =	vpush v2, $0xB;
	[tilespmem:s28], [sflag:$0x1] =	stream.strided.gather [hbm4b:s25+s12], $0x0, s13, s12, $0x38;
	[tilespmem:$0x18880] =	vst v63  }
0x145: {  	s9 =	sand.u32 $0x1FFFFFF0, s14;
	s14 =	spop (v2sf)  }
0x146: {  	(v2sf) =	vpush v1, $0xB;
	[tilespmem:s28], [sflag:$0x1] =	stream.linear.gather [hbm4b:s25+s1], $0x40, $0x38;
	[tilespmem:$0x18880] =	vst v63  }
0x147: {  	s19 =	sand.u32 $0x1FFFFFF0, s11;
	s11 =	sadd.s32 s4, s0;
	s22 =	sadd.s32 $0x8780, s26  }
0x148: {  	[tilespmem:s22], [sflag:$0x1] =	stream.strided.gather [hbm4b:s11+s12], $0x0, s13, s12, $0x38;
	[tilespmem:$0x18880] =	vst v63  }
0x149: {  	s30 =	sadd.s32 $0x10780, s26  }
0x14a: {  	[tilespmem:s22], [sflag:$0x1] =	stream.linear.gather [hbm4b:s11+s1], $0x40, $0x38;
	[tilespmem:$0x18880] =	vst v63  }
0x14b: {  	s0 =	sand.u32 $0x1FFFFFF0, s14;
	s14 =	sadd.s32 s4, s8;
	s28 =	spop (v2sf)  }
0x14c: {  	[tilespmem:s30], [sflag:$0x1] =	stream.strided.gather [hbm4b:s14+s12], $0x0, s13, s12, $0x38;
	[tilespmem:$0x18880] =	vst v63  }
0x14d: {  	s2 =	sadd.s32 s3, s2;
	s25 =	spop (v2sf)  }
0x14e: {  	(v2sf) =	vpush v3, $0xC;
	[tilespmem:s30], [sflag:$0x1] =	stream.linear.gather [hbm4b:s14+s1], $0x40, $0x38;
	[tilespmem:$0x18880] =	vst v63  }
0x14f: {  	s29 =	sand.u32 $0x1FFFFFF0, s25;
	s25 =	sadd.s32 $0x7C0, s26;
	s22 =	spop (v2sf)  }
0x150: {  	(v2sf) =	vpush v2, $0xC;
	[tilespmem:s25], [sflag:$0x1] =	stream.strided.gather [hbm4b:s2+s12], $0x0, s13, s12, $0x38;
	[tilespmem:$0x18880] =	vst v63  }
0x151: {  	_ = 	snop  }
0x152: {  	(v2sf) =	vpush v1, $0xC;
	[tilespmem:s25], [sflag:$0x1] =	stream.linear.gather [hbm4b:s2+s1], $0x40, $0x38;
	[tilespmem:$0x18880] =	vst v63  }
0x153: {  	s5 =	sadd.s32 s4, s5;
	s30 =	spop (v2sf);
	s14 =	sadd.s32 $0x87C0, s26  }
0x154: {  	(v2sf) =	vpush v3, $0xD;
	[tilespmem:s14], [sflag:$0x1] =	stream.strided.gather [hbm4b:s5+s12], $0x0, s13, s12, $0x38;
	[tilespmem:$0x18880] =	vst v63  }
0x155: {  	s8 =	sand.u32 $0x1FFFFFF0, s28;
	s28 =	sand.u32 $0x1FFFFFF0, s22;
	s22 =	spop (v2sf)  }
0x156: {  	(v2sf) =	vpush v2, $0xD;
	[tilespmem:s14], [sflag:$0x1] =	stream.linear.gather [hbm4b:s5+s1], $0x40, $0x38;
	[tilespmem:$0x18880] =	vst v63  }
0x157: {  	s7 =	sadd.s32 s4, s7;
	s25 =	sadd.s32 $0x107C0, s26  }
0x158: {  	(v2sf) =	vpush v1, $0xD;
	[tilespmem:s25], [sflag:$0x1] =	stream.strided.gather [hbm4b:s7+s12], $0x0, s13, s12, $0x38;
	[tilespmem:$0x18880] =	vst v63  }
0x159: {  	_ = 	snop  }
0x15a: {  	[tilespmem:s25], [sflag:$0x1] =	stream.linear.gather [hbm4b:s7+s1], $0x40, $0x38;
	[tilespmem:$0x18880] =	vst v63  }
0x15b: {  	s18 =	sadd.s32 s3, s18;
	s14 =	sadd.s32 $0x800, s26  }
0x15c: {  	[tilespmem:s14], [sflag:$0x1] =	stream.strided.gather [hbm4b:s18+s12], $0x0, s13, s12, $0x38;
	[tilespmem:$0x18880] =	vst v63  }
0x15d: {  	s20 =	sadd.s32 s4, s20;
	s5 =	spop (v2sf)  }
0x15e: {  	(v2sf) =	vpush v3, $0xE;
	[tilespmem:s14], [sflag:$0x1] =	stream.linear.gather [hbm4b:s18+s1], $0x40, $0x38;
	[tilespmem:$0x18880] =	vst v63  }
0x15f: {  	s31 =	sand.u32 $0x1FFFFFF0, s22;
	s22 =	sadd.s32 $0x8800, s26;
	s7 =	spop (v2sf)  }
0x160: {  	[tilespmem:s22], [sflag:$0x1] =	stream.strided.gather [hbm4b:s20+s12], $0x0, s13, s12, $0x38;
	[tilespmem:$0x18880] =	vst v63  }
0x161: {  	s10 =	sadd.s32 s4, s10;
	s25 =	spop (v2sf)  }
0x162: {  	(v2sf) =	vpush v2, $0xE;
	[tilespmem:s22], [sflag:$0x1] =	stream.linear.gather [hbm4b:s20+s1], $0x40, $0x38;
	[tilespmem:$0x18880] =	vst v63  }
0x163: {  	s2 =	sand.u32 $0x1FFFFFF0, s25;
	s25 =	sadd.s32 $0x10800, s26;
	s18 =	spop (v2sf)  }
0x164: {  	[tilespmem:s25], [sflag:$0x1] =	stream.strided.gather [hbm4b:s10+s12], $0x0, s13, s12, $0x38;
	[tilespmem:$0x18880] =	vst v63  }
0x165: {  	s11 =	spop (v2sf)  }
0x166: {  	[tilespmem:s25], [sflag:$0x1] =	stream.linear.gather [hbm4b:s10+s1], $0x40, $0x38;
	[tilespmem:$0x18880] =	vst v63  }
0x167: {  	s9 =	sadd.s32 s3, s9;
	s14 =	sadd.s32 $0x840, s26;
	s20 =	spop (v2sf)  }
0x168: {  	[tilespmem:s14], [sflag:$0x1] =	stream.strided.gather [hbm4b:s9+s12], $0x0, s13, s12, $0x38;
	[tilespmem:$0x18880] =	vst v63  }
0x169: {  	s22 =	sand.u32 $0x1FFFFFF0, s6;
	s6 =	sand.u32 $0x1FFFFFF0, s20  }
0x16a: {  	[tilespmem:s14], [sflag:$0x1] =	stream.linear.gather [hbm4b:s9+s1], $0x40, $0x38;
	[tilespmem:$0x18880] =	vst v63  }
0x16b: {  	s20 =	sadd.s32 s4, s22;
	s10 =	sand.u32 $0x1FFFFFF0, s11;
	s11 =	sadd.s32 $0x8840, s26  }
0x16c: {  	[tilespmem:s11], [sflag:$0x1] =	stream.strided.gather [hbm4b:s20+s12], $0x0, s13, s12, $0x38;
	[tilespmem:$0x18880] =	vst v63  }
0x16d: {  	s22 =	spop (v2sf)  }
0x16e: {  	[tilespmem:s11], [sflag:$0x1] =	stream.linear.gather [hbm4b:s20+s1], $0x40, $0x38;
	[tilespmem:$0x18880] =	vst v63  }
0x16f: {  	s25 =	sadd.s32 $0x10840, s26;
	s9 =	sand.u32 $0x1FFFFFF0, s22;
	s22 =	sadd.s32 s4, s19  }
0x170: {  	[tilespmem:s25], [sflag:$0x1] =	stream.strided.gather [hbm4b:s22+s12], $0x0, s13, s12, $0x38;
	[tilespmem:$0x18880] =	vst v63  }
0x171: {  	s14 =	spop (v2sf)  }
0x172: {  	[tilespmem:s25], [sflag:$0x1] =	stream.linear.gather [hbm4b:s22+s1], $0x40, $0x38;
	[tilespmem:$0x18880] =	vst v63  }
0x173: {  	s19 =	sand.u32 $0x1FFFFFF0, s14;
	s14 =	sadd.s32 $0x880, s26;
	s20 =	sadd.s32 s3, s0  }
0x174: {  	[tilespmem:s14], [sflag:$0x1] =	stream.strided.gather [hbm4b:s20+s12], $0x0, s13, s12, $0x38;
	[tilespmem:$0x18880] =	vst v63  }
0x175: {  	_ = 	snop  }
0x176: {  	[tilespmem:s14], [sflag:$0x1] =	stream.linear.gather [hbm4b:s20+s1], $0x40, $0x38;
	[tilespmem:$0x18880] =	vst v63  }
0x177: {  	s22 =	sadd.s32 $0x8880, s26;
	s25 =	sadd.s32 s4, s8  }
0x178: {  	[tilespmem:s22], [sflag:$0x1] =	stream.strided.gather [hbm4b:s25+s12], $0x0, s13, s12, $0x38;
	[tilespmem:$0x18880] =	vst v63  }
0x179: {  	_ = 	snop  }
0x17a: {  	[tilespmem:s22], [sflag:$0x1] =	stream.linear.gather [hbm4b:s25+s1], $0x40, $0x38;
	[tilespmem:$0x18880] =	vst v63  }
0x17b: {  	s14 =	sadd.s32 $0x10880, s26;
	s20 =	sadd.s32 s4, s29  }
0x17c: {  	[tilespmem:s14], [sflag:$0x1] =	stream.strided.gather [hbm4b:s20+s12], $0x0, s13, s12, $0x38;
	[tilespmem:$0x18880] =	vst v63  }
0x17d: {  	_ = 	snop  }
0x17e: {  	[tilespmem:s14], [sflag:$0x1] =	stream.linear.gather [hbm4b:s20+s1], $0x40, $0x38;
	[tilespmem:$0x18880] =	vst v63  }
0x17f: {  	s22 =	sadd.s32 $0x8C0, s26;
	s25 =	sadd.s32 s3, s28  }
0x180: {  	[tilespmem:s22], [sflag:$0x1] =	stream.strided.gather [hbm4b:s25+s12], $0x0, s13, s12, $0x38;
	[tilespmem:$0x18880] =	vst v63  }
0x181: {  	s30 =	sand.u32 $0x1FFFFFF0, s30  }
0x182: {  	[tilespmem:s22], [sflag:$0x1] =	stream.linear.gather [hbm4b:s25+s1], $0x40, $0x38;
	[tilespmem:$0x18880] =	vst v63  }
0x183: {  	s14 =	sadd.s32 $0x88C0, s26;
	s20 =	sadd.s32 s4, s30  }
0x184: {  	[tilespmem:s14], [sflag:$0x1] =	stream.strided.gather [hbm4b:s20+s12], $0x0, s13, s12, $0x38;
	[tilespmem:$0x18880] =	vst v63  }
0x185: {  	_ = 	snop  }
0x186: {  	[tilespmem:s14], [sflag:$0x1] =	stream.linear.gather [hbm4b:s20+s1], $0x40, $0x38;
	[tilespmem:$0x18880] =	vst v63  }
0x187: {  	s22 =	sadd.s32 $0x108C0, s26;
	s25 =	sadd.s32 s4, s31  }
0x188: {  	(v2sf) =	vpush v1, $0xE;
	[tilespmem:s22], [sflag:$0x1] =	stream.strided.gather [hbm4b:s25+s12], $0x0, s13, s12, $0x38;
	[tilespmem:$0x18880] =	vst v63  }
0x189: {  	s5 =	sand.u32 $0x1FFFFFF0, s5  }
0x18a: {  	[tilespmem:s22], [sflag:$0x1] =	stream.linear.gather [hbm4b:s25+s1], $0x40, $0x38;
	[tilespmem:$0x18880] =	vst v63  }
0x18b: {  	s5 =	sadd.s32 s3, s5;
	s30 =	sadd.s32 $0x900, s26  }
0x18c: {  	(v2sf) =	vpush v3, $0xF;
	[tilespmem:s30], [sflag:$0x1] =	stream.strided.gather [hbm4b:s5+s12], $0x0, s13, s12, $0x38;
	[tilespmem:$0x18880] =	vst v63  }
0x18d: {  	s7 =	sand.u32 $0x1FFFFFF0, s7  }
0x18e: {  	(v2sf) =	vpush v2, $0xF;
	[tilespmem:s30], [sflag:$0x1] =	stream.linear.gather [hbm4b:s5+s1], $0x40, $0x38;
	[tilespmem:$0x18880] =	vst v63  }
0x18f: {  	s7 =	sadd.s32 s4, s7;
	s31 =	sadd.s32 $0x8900, s26  }
0x190: {  	(v2sf) =	vpush v1, $0xF;
	[tilespmem:s31], [sflag:$0x1] =	stream.strided.gather [hbm4b:s7+s12], $0x0, s13, s12, $0x38;
	[tilespmem:$0x18880] =	vst v63  }
0x191: {  	_ = 	snop  }
0x192: {  	[tilespmem:s31], [sflag:$0x1] =	stream.linear.gather [hbm4b:s7+s1], $0x40, $0x38;
	[tilespmem:$0x18880] =	vst v63  }
0x193: {  	s2 =	sadd.s32 s4, s2;
	s20 =	sadd.s32 $0x10900, s26  }
0x194: {  	[tilespmem:s20], [sflag:$0x1] =	stream.strided.gather [hbm4b:s2+s12], $0x0, s13, s12, $0x38;
	[tilespmem:$0x18880] =	vst v63  }
0x195: {  	s18 =	sand.u32 $0x1FFFFFF0, s18  }
0x196: {  	[tilespmem:s20], [sflag:$0x1] =	stream.linear.gather [hbm4b:s2+s1], $0x40, $0x38;
	[tilespmem:$0x18880] =	vst v63  }
0x197: {  	s11 =	spop (v2sf);
	s22 =	sadd.s32 $0x940, s26;
	s25 =	sadd.s32 s3, s18  }
0x198: {  	[tilespmem:s22], [sflag:$0x1] =	stream.strided.gather [hbm4b:s25+s12], $0x0, s13, s12, $0x38;
	[tilespmem:$0x18880] =	vst v63  }
0x199: {  	s0 =	sand.u32 $0x1FFFFFF0, s11  }
0x19a: {  	[tilespmem:s22], [sflag:$0x1] =	stream.linear.gather [hbm4b:s25+s1], $0x40, $0x38;
	[tilespmem:$0x18880] =	vst v63  }
0x19b: {  	s11 =	spop (v2sf);
	s30 =	sadd.s32 $0x8940, s26;
	s31 =	sadd.s32 s4, s10  }
0x19c: {  	[tilespmem:s30], [sflag:$0x1] =	stream.strided.gather [hbm4b:s31+s12], $0x0, s13, s12, $0x38;
	[tilespmem:$0x18880] =	vst v63  }
0x19d: {  	s6 =	sadd.s32 s4, s6;
	s8 =	sand.u32 $0x1FFFFFF0, s11;
	s11 =	spop (v2sf)  }
0x19e: {  	[tilespmem:s30], [sflag:$0x1] =	stream.linear.gather [hbm4b:s31+s1], $0x40, $0x38;
	[tilespmem:$0x18880] =	vst v63  }
0x19f: {  	s29 =	sand.u32 $0x1FFFFFF0, s11;
	s11 =	spop (v2sf);
	s10 =	sadd.s32 $0x10940, s26  }
0x1a0: {  	[tilespmem:s10], [sflag:$0x1] =	stream.strided.gather [hbm4b:s6+s12], $0x0, s13, s12, $0x38;
	[tilespmem:$0x18880] =	vst v63  }
0x1a1: {  	s11 =	sand.u32 $0x1FFFFFF0, s11  }
0x1a2: {  	[tilespmem:s10], [sflag:$0x1] =	stream.linear.gather [hbm4b:s6+s1], $0x40, $0x38;
	[tilespmem:$0x18880] =	vst v63  }
0x1a3: {  	s28 =	sadd.s32 s4, s11;
	s11 =	sadd.s32 $0x980, s26;
	s14 =	sadd.s32 s3, s9  }
0x1a4: {  	[tilespmem:s11], [sflag:$0x1] =	stream.strided.gather [hbm4b:s14+s12], $0x0, s13, s12, $0x38;
	[tilespmem:$0x18880] =	vst v63  }
0x1a5: {  	_ = 	snop  }
0x1a6: {  	[tilespmem:s11], [sflag:$0x1] =	stream.linear.gather [hbm4b:s14+s1], $0x40, $0x38;
	[tilespmem:$0x18880] =	vst v63  }
0x1a7: {  	s18 =	sadd.s32 $0x8980, s26;
	s20 =	sadd.s32 s4, s19  }
0x1a8: {  	[tilespmem:s18], [sflag:$0x1] =	stream.strided.gather [hbm4b:s20+s12], $0x0, s13, s12, $0x38;
	[tilespmem:$0x18880] =	vst v63  }
0x1a9: {  	_ = 	snop  }
0x1aa: {  	[tilespmem:s18], [sflag:$0x1] =	stream.linear.gather [hbm4b:s20+s1], $0x40, $0x38;
	[tilespmem:$0x18880] =	vst v63  }
0x1ab: {  	s0 =	sadd.s32 s4, s0;
	s22 =	sadd.s32 $0x10980, s26  }
0x1ac: {  	[tilespmem:s22], [sflag:$0x1] =	stream.strided.gather [hbm4b:s0+s12], $0x0, s13, s12, $0x38;
	[tilespmem:$0x18880] =	vst v63  }
0x1ad: {  	_ = 	snop  }
0x1ae: {  	[tilespmem:s22], [sflag:$0x1] =	stream.linear.gather [hbm4b:s0+s1], $0x40, $0x38;
	[tilespmem:$0x18880] =	vst v63  }
0x1af: {  	p0 =	sne.s32 s21, $0x1F000;
	s25 =	sadd.s32 $0x9C0, s26;
	s30 =	sadd.s32 s3, s8  }
0x1b0: {  	[tilespmem:s25], [sflag:$0x1] =	stream.strided.gather [hbm4b:s30+s12], $0x0, s13, s12, $0x38;
	[tilespmem:$0x18880] =	vst v63  }
.Ltmp0:
0x1b1: {  	s21 =	sadd.s32 $0x1000, s21;
	s23 =	sadd.s32 $0x10, s23;
	(pc) =	sbr.rel @p0 .LBB2_2-.Ltmp0, $4  }
0x1b2: {  	s24 =	sadd.s32 $0x10, s24;
	s2 =	sadd.s32 s4, s29;
	s31 =	rddreg [dreg:$0x5]  }
0x1b3: {  	[tilespmem:s25], [sflag:$0x1] =	stream.linear.gather [hbm4b:s30+s1], $0x40, $0x38;
	[tilespmem:$0x18880] =	vst v63  }
0x1b4: {  	s5 =	sadd.s32 $0x10, s31;
	s6 =	rddreg [dreg:$0x6];
	s0 =	sadd.s32 $0x89C0, s26  }
0x1b5: {  	[tilespmem:s0], [sflag:$0x1] =	stream.strided.gather [hbm4b:s2+s12], $0x0, s13, s12, $0x38;
	[tilespmem:$0x18880] =	vst v63  }
0x1b6: {  	[tilespmem:s0], [sflag:$0x1] =	stream.linear.gather [hbm4b:s2+s1], $0x40, $0x38;
	[tilespmem:$0x18880] =	vst v63  }
0x1b7: {  	_ = 	snop  }
0x1b8: {  	[tilespmem:s6], [sflag:$0x1] =	stream.strided.gather [hbm4b:s28+s12], $0x0, s13, s12, $0x38;
	[tilespmem:$0x18880] =	vst v63  }
0x1b9: {  	s31 =	simm.s32 $0x1  }
0x1ba: {  	[tilespmem:s6], [sflag:$0x1] =	stream.linear.gather [hbm4b:s28+s1], $0x40, $0x38;
	[tilespmem:$0x18880] =	vst v63  }
0x1bb: {  	_ =	swait.ge [sflag:s31], $0x4000  }
0x1bc: {  	[sflag:s31] =	ssyncset.done $0x0  }
0x1bd: {  	[sflag:s31] =	ssyncadd.s32 $0xFFFFC000  }
0x1be: {  	_ =	swait.ge [sflag:s31], $0x4000  }
0x1bf: {  	[sflag:s31] =	ssyncset.done $0x0  }
0x1c0: {  	[sflag:s31] =	ssyncadd.s32 $0xFFFFC000  }
0x1c1: {  	_ =	swait.ge [sflag:s31], $0x4000  }
0x1c2: {  	[sflag:s31] =	ssyncset.done $0x0  }
0x1c3: {  	[sflag:s31] =	ssyncadd.s32 $0xFFFFC000  }
0x1c4: {  	_ =	swait.ge [sflag:s31], $0x4000  }
0x1c5: {  	[sflag:s31] =	ssyncset.done $0x0  }
0x1c6: {  	[sflag:s31] =	ssyncadd.s32 $0xFFFFC000  }
0x1c7: {  	_ =	swait.ge [sflag:s31], $0x4000  }
0x1c8: {  	[sflag:s31] =	ssyncset.done $0x0  }
0x1c9: {  	[sflag:s31] =	ssyncadd.s32 $0xFFFFC000  }
0x1ca: {  	_ =	swait.ge [sflag:s31], $0x4000  }
0x1cb: {  	[sflag:s31] =	ssyncset.done $0x0  }
0x1cc: {  	s21 =	simm.s32 $0x0;
	v1 =	vimm.f32 $0.0e+00;
	v2 =	vimm.f32 $0.0e+00;
	s22 =	simm.s32 $0x0;
	[sflag:s31] =	ssyncadd.s32 $0xFFFFC000  }
.LBB2_4:
0x1cd: {  	s23 =	sshll.u32 s22, $0x4  }
0x1ce: {  	v3 =	vmov s23  }
0x1cf: {  	v3 =	vshll.u32 v3, $0x6  }
0x1d0: {  	v3 =	vor.u32 v0, v3  }
0x1d1: {  	v4 =	vor.u32 s21, v3;
	_ =	sdelay $0x1  }
0x1d2: {  	s0 =	simm.s32 $0x2  }
0x1d3: {  	v6 =	vor.u32 s0, v3;
	_ =	sdelay $0x1  }
0x1d4: {  	s26 =	simm.s32 $0x3;
	v9 =	vld.idx.msk [tilespmem:v4+s15+$0x0], $0xffff  }
0x1d5: {  	v10 =	vor.u32 s26, v3;
	v7 =	vld.idx.msk [tilespmem:v4+s16+$0x0], $0xffff  }
0x1d6: {  	s28 =	simm.s32 $0x1;
	v4 =	vld.idx.msk [tilespmem:v4+s17+$0x0], $0xffff  }
0x1d7: {  	v11 =	vor.u32 s28, v3;
	v5 =	vld.idx.msk [tilespmem:v6+s15+$0x0], $0xffff  }
0x1d8: {  	v12 =	vld.idx.msk [tilespmem:v6+s16+$0x0], $0xffff  }
0x1d9: {  	v13 =	vld.idx.msk [tilespmem:v6+s17+$0x0], $0xffff  }
0x1da: {  	v6 =	vld.idx.msk [tilespmem:v10+s16+$0x0], $0xffff  }
0x1db: {  	v8 =	vld.idx.msk [tilespmem:v10+s17+$0x0], $0xffff  }
0x1dc: {  	v17 =	vld.idx.msk [tilespmem:v11+s16+$0x0], $0xffff  }
0x1dd: {  	s29 =	simm.s32 $0x4;
	v24 =	vld.idx.msk [tilespmem:v11+s17+$0x0], $0xffff  }
0x1de: {  	v19 =	vor.u32 s29, v3;
	v10 =	vld.idx.msk [tilespmem:v10+s15+$0x0], $0xffff;
	v14 =	vmul.f32 v7, v7;
	v18 =	vmul.f32 v4, v4  }
0x1df: {  	v16 =	vld.idx.msk [tilespmem:v11+s15+$0x0], $0xffff;
	v20 =	vmul.f32 v12, v12;
	v11 =	vmul.f32 v13, v13  }
0x1e0: {  	s30 =	simm.s32 $0x6;
	v21 =	vsub.f32 v7, v4;
	v7 =	vmul.f32 v9, v9;
	v22 =	vmul.f32 v5, v5  }
0x1e1: {  	v15 =	vor.u32 s30, v3;
	v28 =	vmul.f32 v6, v6;
	v29 =	vmul.f32 v8, v8  }
0x1e2: {  	v27 =	vmul.f32 v24, v24;
	v25 =	vsub.f32 v17, v24;
	v14 =	vadd.f32 v18, v14  }
0x1e3: {  	s31 =	simm.s32 $0x7;
	v4 =	vld.idx.msk [tilespmem:v19+s15+$0x0], $0xffff;
	v24 =	vmul.f32 v10, v10;
	v18 =	vsub.f32 v12, v13;
	v23 =	vadd.f32 v11, v20  }
0x1e4: {  	v11 =	vld.idx.msk [tilespmem:v19+s16+$0x0], $0xffff;
	v12 =	vor.u32 s31, v3;
	v20 =	vadd.f32 v14, v7;
	v7 =	vmul.f32 v17, v17  }
0x1e5: {  	s2 =	simm.s32 $0x5;
	v26 =	vmul.f32 v16, v16;
	v13 =	vld.idx.msk [tilespmem:v19+s17+$0x0], $0xffff;
	v28 =	vadd.f32 v29, v28;
	v19 =	vimm.f32 $0.0e+00  }
0x1e6: {  	s0 =	simm.s32 $0x8;
	v14 =	vor.u32 s2, v3;
	v17 =	vimm.f32 $0.0e+00;
	v27 =	vadd.f32 v27, v7;
	v7 =	vld.idx.msk [tilespmem:v15+s15+$0x0], $0xffff  }
.LBB2_5:
0x1e7: {  	p0 =	sne.s32 s0, $0x3C;
	v29 =	vld.idx.msk [tilespmem:v15+s16+$0x0], $0xffff;
	v9 =	vmul.f32 v21, v9;
	v21 =	vadd.f32 v23, v22;
	v22 =	vsub.f32 v6, v8  }
0x1e8: {  	v23 =	vld.idx.msk [tilespmem:v15+s17+$0x0], $0xffff;
	v15 =	vmul.f32 v25, v16;
	v16 =	vadd.f32 v27, v26;
	v24 =	vadd.f32 v28, v24  }
0x1e9: {  	v2 =	vadd.f32 v20, v2;
	v18 =	vmul.f32 v18, v5;
	v6 =	vld.idx.msk [tilespmem:v12+s16+$0x0], $0xffff;
	v26 =	vadd.f32 v9, v19  }
0x1ea: {  	v10 =	vmul.f32 v22, v10;
	v8 =	vld.idx.msk [tilespmem:v12+s17+$0x0], $0xffff;
	v15 =	vadd.f32 v15, v17;
	v1 =	vadd.f32 v16, v1  }
0x1eb: {  	v2 =	vadd.f32 v21, v2;
	v25 =	vld.idx.msk [tilespmem:v14+s16+$0x0], $0xffff;
	v19 =	vadd.f32 v18, v26;
	v9 =	vmov v4  }
0x1ec: {  	v26 =	vor.u32 s0, v3;
	v5 =	vmovc v7;
	v27 =	vld.idx.msk [tilespmem:v14+s17+$0x0], $0xffff;
	v17 =	vadd.f32 v10, v15;
	v1 =	vadd.f32 v24, v1  }
0x1ed: {  	s2 =	sadd.s32 $0x2, s0;
	v20 =	vmul.f32 v13, v13;
	v18 =	vmul.f32 v11, v11;
	v10 =	vld.idx.msk [tilespmem:v12+s15+$0x0], $0xffff  }
0x1ee: {  	v15 =	vor.u32 s2, v3;
	v12 =	vmul.f32 v29, v29;
	v16 =	vld.idx.msk [tilespmem:v14+s15+$0x0], $0xffff;
	v14 =	vmul.f32 v23, v23  }
0x1ef: {  	v21 =	vsub.f32 v11, v13;
	v11 =	vmul.f32 v4, v9;
	v13 =	vadd.f32 v20, v18  }
.Ltmp1:
0x1f0: {  	v22 =	vmul.f32 v7, v5;
	v18 =	vsub.f32 v29, v23;
	v23 =	vadd.f32 v14, v12;
	(pc) =	sbr.rel @p0 .LBB2_5-.Ltmp1, $4  }
0x1f1: {  	s2 =	sadd.s32 $0x3, s0;
	v28 =	vmul.f32 v6, v6;
	v20 =	vadd.f32 v13, v11;
	v29 =	vmul.f32 v8, v8;
	v4 =	vld.idx.msk [tilespmem:v26+s15+$0x0], $0xffff  }
0x1f2: {  	s5 =	sadd.s32 $0x1, s0;
	v12 =	vor.u32 s2, v3;
	v30 =	vmul.f32 v25, v25;
	v31 =	vmul.f32 v27, v27;
	v11 =	vld.idx.msk [tilespmem:v26+s16+$0x0], $0xffff  }
0x1f3: {  	v14 =	vor.u32 s5, v3;
	v25 =	vsub.f32 v25, v27;
	v24 =	vmul.f32 v10, v10;
	v13 =	vld.idx.msk [tilespmem:v26+s17+$0x0], $0xffff  }
0x1f4: {  	s0 =	sadd.s32 $0x4, s0;
	v28 =	vadd.f32 v29, v28;
	v26 =	vmul.f32 v16, v16;
	v27 =	vadd.f32 v31, v30;
	v7 =	vld.idx.msk [tilespmem:v15+s15+$0x0], $0xffff  }
0x1f5: {  	_ =	sdelay $0x3  }
0x1f6: {  	v33 =	vld.idx.msk [tilespmem:v15+s16+$0x0], $0xffff  }
0x1f7: {  	v3 =	vmul.f32 v21, v9;
	v32 =	vadd.f32 v23, v22;
	v6 =	vsub.f32 v6, v8;
	v36 =	vld.idx.msk [tilespmem:v15+s17+$0x0], $0xffff  }
0x1f8: {  	v34 =	vmul.f32 v25, v16;
	v5 =	vmul.f32 v18, v5;
	v38 =	vld.idx.msk [tilespmem:v12+s16+$0x0], $0xffff;
	v2 =	vadd.f32 v20, v2  }
0x1f9: {  	v39 =	vld.idx.msk [tilespmem:v14+s16+$0x0], $0xffff;
	v35 =	vadd.f32 v27, v26;
	v37 =	vadd.f32 v28, v24;
	v48 =	vmul.f32 v4, v4  }
0x1fa: {  	v40 =	vld.idx.msk [tilespmem:v14+s17+$0x0], $0xffff;
	v3 =	vadd.f32 v3, v19;
	v8 =	vadd.f32 v34, v17;
	v6 =	vmul.f32 v6, v10  }
0x1fb: {  	v41 =	vld.idx.msk [tilespmem:v12+s17+$0x0], $0xffff;
	v2 =	vadd.f32 v32, v2;
	v42 =	vmul.f32 v11, v11;
	v1 =	vadd.f32 v35, v1  }
0x1fc: {  	v43 =	vmul.f32 v13, v13;
	v47 =	vsub.f32 v11, v13;
	v3 =	vadd.f32 v5, v3  }
0x1fd: {  	v44 =	vld.idx.msk [tilespmem:v14+s15+$0x0], $0xffff;
	v6 =	vadd.f32 v6, v8;
	v50 =	vmul.f32 v7, v7;
	v1 =	vadd.f32 v37, v1  }
0x1fe: {  	v45 =	vmul.f32 v33, v33;
	v46 =	vmul.f32 v36, v36;
	v9 =	vadd.f32 v43, v42  }
0x1ff: {  	v49 =	vld.idx.msk [tilespmem:v12+s15+$0x0], $0xffff;
	v15 =	vsub.f32 v33, v36;
	v51 =	vmul.f32 v38, v38;
	v52 =	vmul.f32 v39, v39  }
0x200: {  	v53 =	vmul.f32 v40, v40;
	v5 =	vsub.f32 v39, v40;
	v54 =	vmul.f32 v41, v41  }
0x201: {  	v55 =	vmul.f32 v47, v4;
	v8 =	vsub.f32 v38, v41;
	v17 =	vadd.f32 v46, v45  }
0x202: {  	v9 =	vadd.f32 v9, v48;
	v56 =	vadd.f32 v53, v52;
	v5 =	vmul.f32 v5, v44  }
0x203: {  	v57 =	vmul.f32 v44, v44;
	v10 =	vadd.f32 v54, v51;
	v3 =	vadd.f32 v55, v3  }
0x204: {  	s22 =	sadd.s32 $0x1, s22;
	v58 =	vmul.f32 v15, v7;
	v59 =	vmul.f32 v8, v49;
	v5 =	vadd.f32 v5, v6  }
0x205: {  	p0 =	sne.s32 s22, $0x20;
	v60 =	vmul.f32 v49, v49;
	v61 =	vadd.f32 v17, v50;
	v11 =	vadd.f32 v56, v57  }
.Ltmp2:
0x206: {  	v3 =	vadd.f32 v58, v3;
	v62 =	vadd.f32 v59, v5;
	(pc) =	sbr.rel @p0 .LBB2_4-.Ltmp2, $4  }
0x207: {  	v63 =	vadd.f32 v10, v60;
	v2 =	vadd.f32 v9, v2  }
0x208: {  	v1 =	vadd.f32 v11, v1;
	v3 =	vadd.f32 v62, v3  }
0x209: {  	s0 =	sand.u32 $0x1F0, s23  }
0x20a: {  	v2 =	vadd.f32 v61, v2;
	v1 =	vadd.f32 v63, v1;
	[tilespmem:s0+$0x18600] =	vst v3  }
0x20b: {  	_ = 	snop  }
0x20c: {  	v1 =	vadd.f32 v1, v2;
	_ =	sdelay $0x1  }
0x20d: {  	s0 =	rddreg [dreg:$0xa];
	s2 =	simm.s32 $0x18600;
	s5 =	simm.s32 $0x2;
	[tilespmem:$0x18800] =	vst v1  }
0x20e: {  	[hbm4b:s0+s1] =	stream.linear.scatter [tilespmem:s2], [sflag:$0x2], $0x200, $0x38;
	[tilespmem:$0x18880] =	vst v63  }
0x20f: {  	_ =	swait.ge [sflag:s5], $0x200  }
0x210: {  	[sflag:s5] =	ssyncset.done $0x0  }
0x211: {  	s29 =	simm.s32 $0x18800;
	s28 =	rddreg [dreg:$0xb];
	[sflag:s5] =	ssyncadd.s32 $0xFFFFFE00  }
0x212: {  	[hbm4b:s28+s1] =	stream.linear.scatter [tilespmem:s29], [sflag:$0x2], $0x80, $0x38;
	[tilespmem:$0x18880] =	vst v63  }
0x213: {  	_ =	swait.ge [sflag:s5], $0x80  }
0x214: {  	s30 =	rddreg [dreg:$0xd]  }
0x215: {  	s31 =	rddreg [dreg:$0xc];
	s2 =	sadd.s32 $0x1, s30  }
0x216: {  	p0 =	sne.s32 s2, s31  }
.Ltmp3:
0x217: {  	_ = 	snop;
	(pc) =	sbr.rel @p0 .LBB2_1-.Ltmp3, $3  }
0x218: {  	_ =	sdelay $0x1  }
0x219: {  	[sflag:s5] =	ssyncset.done $0x0  }
0x21a: {  	[sflag:s5] =	ssyncadd.s32 $0xFFFFFF80  }
0x21b: {  	_ =	sfence.sel $0x180000  }
0x21c: {  	[bflag:$0x0] =	sbarrier.arrive $0xFFFF  }
0x21d: {  	_ =	strace $0x90000047  }
0x21e: {  	s0 =	stileid.u32;
	[bflag:$0x2] =	sbarrier.arrive $0xFFFF  }
0x21f: {  	p0 =	sne.s32 s0, $0x0;
	s0 =	rddreg [dreg:$0x4]  }
0x220: {  	s0 =	sadd.s32 @!p0 $0x100000, s0  }
0x221: {  	[sflag:s0] =	ssyncadd.tile.s32 @!p0 $0x1;
	_ =	shalt  }
.Lfunc_end2:
_tile_overlayer_lowered:
.L_overlay_start_2:
0x222: {  	(tag) =	ssettag $0x2  }
0x223: {  	s0 =	rddreg [dreg:$0x0];
	s2 =	stileid.u32  }
0x224: {  	s1 =	rddreg [dreg:$0x1];
	p0 =	sne.s32 s2, $0x0  }
0x225: {  	s3 =	rddreg [dreg:$0x2];
	[bflag:$0x3] =	sbarrier.arrive $0xFFFF;
	s2 =	simm.s32 @!p0 $0x1C02  }
0x226: {  	[timem:s3], [sflag:s2] =	dma.local @!p0 [hbm:s0], s1  }
0x227: {  	s0 =	simm.s32 @!p0 $0x2  }
0x228: {  	_ =	swait.ge @!p0 [sflag:s0], s1  }
0x229: {  	s1 =	ssub.s32 @!p0 $0x0, s1;
	[sflag:s0] =	ssyncset.done @!p0 $0x0  }
0x22a: {  	[sflag:s0] =	ssyncadd.s32 @!p0 s1  }
0x22b: {  	[bflag:$0x3] =	sbarrier.arrive $0xFFFF  }
0x22c: {  	_ =	shalt  }

</sc_bundles>
